<compile_context>
chip_gen: v7x
topology: tpu7x:2x2x1
jax: 0.10.2.dev20260603
libtpu: 0.0.44.dev20260713+nightly
codegen_flags: <defaults>
</compile_context>

<pallas_src>
import functools

import jax
import jax.numpy as jnp
from jax import lax
from jax.experimental import pallas as pl
from jax.experimental.pallas import tpu as pltpu
from jax.experimental.pallas import tpu_sc as plsc

N = 10000
EDGES = 320000
D_IN = 128
WIDTH = 80
R = 10240
NW = 32
CH = 128
NCHUNK = 79
EPW = NCHUNK * CH
EP = NW * EPW
RPW = R // 16
TBLK = 256
FBLK = 128



def _edge_body(hs_hbm, adp_hbm, src_hbm, dst_hbm, out_hbm,
               srci, dsti, srows, adrows, orows, stage, acc,
               sem1, sem2):
    c = lax.axis_index("c")
    s = lax.axis_index("s")
    wid = s * 2 + c
    iota = lax.iota(jnp.int32, 16)
    hi = lax.shift_right_logical(iota, 3)
    z16 = jnp.zeros((16,), jnp.float32)

    def vperm(v, idx):
        return v.at[idx].get(mode="promise_in_bounds")

    def zrow(i, carry):
        for j in range(WIDTH // 16):
            stage[i, pl.ds(16 * j, 16)] = z16
        return carry
    lax.fori_loop(0, CH, zrow, 0)
    for t in range(RPW // CH):
        pltpu.sync_copy(stage, acc.at[pl.ds(s * RPW + t * CH, CH)])
    plsc.subcore_barrier()

    def chunk(k, carry):
        e0 = wid * EPW + k * CH
        pltpu.sync_copy(src_hbm.at[pl.ds(e0, CH)], srci)
        pltpu.sync_copy(dst_hbm.at[pl.ds(e0, CH)], dsti)
        d1 = pltpu.async_copy(hs_hbm.at[srci], srows, sem1)
        d2 = pltpu.async_copy(adp_hbm.at[dsti], adrows, sem2)
        d1.wait()
        d2.wait()

        def edge_row(e, carry):
            a_s = srows[e, pl.ds(64, 16)]
            a_d = adrows[e]
            ev = a_s + a_d
            ev = jnp.where(ev >= 0.0, ev, 0.2 * ev)
            ee = jnp.exp(ev)
            for j in range(4):
                h_v = srows[e, pl.ds(16 * j, 16)]
                orows[e, pl.ds(16 * j, 16)] = h_v * vperm(ee, 2 * j + hi)
            orows[e, pl.ds(64, 16)] = jnp.where(iota < 8, ee, 0.0)
            return carry
        lax.fori_loop(0, CH, edge_row, 0)

        pltpu.sync_copy(orows, acc.at[dsti], add=True)
        return carry
    lax.fori_loop(0, NCHUNK, chunk, 0)

    plsc.subcore_barrier()
    for t in range(RPW // CH):
        r0 = s * RPW + t * CH
        pltpu.sync_copy(acc.at[pl.ds(r0, CH)], stage)
        pltpu.sync_copy(stage, out_hbm.at[pl.ds(c * R + r0, CH)])


def _edge_pass(hs, adp, srcp, dstp):
    mesh = plsc.VectorSubcoreMesh(core_axis_name="c", subcore_axis_name="s",
                                  num_cores=2, num_subcores=16)
    run = pl.kernel(
        _edge_body,
        out_type=jax.ShapeDtypeStruct((2 * R, WIDTH), jnp.float32),
        mesh=mesh,
        scratch_types=[
            pltpu.VMEM((CH,), jnp.int32),
            pltpu.VMEM((CH,), jnp.int32),
            pltpu.VMEM((CH, WIDTH), jnp.float32),
            pltpu.VMEM((CH, 16), jnp.float32),
            pltpu.VMEM((CH, WIDTH), jnp.float32),
            pltpu.VMEM((CH, WIDTH), jnp.float32),
            pltpu.VMEM_SHARED((R, WIDTH), jnp.float32),
            pltpu.SemaphoreType.DMA,
            pltpu.SemaphoreType.DMA,
        ],
        compiler_params=pltpu.CompilerParams(use_tc_tiling_on_sc=False),
    )
    return run(hs, adp, srcp, dstp)



def _tc1_body(x_ref, w_ref, as_ref, ad_ref, hs_ref, adp_ref):
    h = jnp.dot(x_ref[...], w_ref[...], preferred_element_type=jnp.float32)
    a_s = jnp.dot(h, as_ref[...], preferred_element_type=jnp.float32)
    a_d = jnp.dot(h, ad_ref[...], preferred_element_type=jnp.float32)
    pad = jnp.zeros((h.shape[0], 8), jnp.float32)
    hs_ref[...] = jnp.concatenate([h, a_s, pad], axis=1)
    adp_ref[...] = jnp.concatenate([a_d, pad], axis=1)


def _node_tables_l1(xp, W1, As1, Ad1):
    return pl.pallas_call(
        _tc1_body,
        grid=(R // TBLK,),
        in_specs=[
            pl.BlockSpec((TBLK, D_IN), lambda i: (i, 0)),
            pl.BlockSpec((D_IN, 64), lambda i: (0, 0)),
            pl.BlockSpec((64, 8), lambda i: (0, 0)),
            pl.BlockSpec((64, 8), lambda i: (0, 0)),
        ],
        out_specs=[pl.BlockSpec((TBLK, WIDTH), lambda i: (i, 0)),
                   pl.BlockSpec((TBLK, 16), lambda i: (i, 0))],
        out_shape=[jax.ShapeDtypeStruct((R, WIDTH), jnp.float32),
                   jax.ShapeDtypeStruct((R, 16), jnp.float32)],
    )(xp, W1, As1, Ad1)


def _tc2_body(acc_ref, b_ref, w_ref, as_ref, ad_ref, er_ref, hs_ref, adp_ref):
    a = acc_ref[0] + acc_ref[1]
    msg = a[:, :64]
    den = jnp.dot(a[:, 64:72], er_ref[...], preferred_element_type=jnp.float32)
    z = msg / (den + 1e-16) + b_ref[...]
    z = jnp.where(z > 0.0, z, jnp.exp(z) - 1.0)
    rows = (pl.program_id(0) * TBLK
            + lax.broadcasted_iota(jnp.int32, (TBLK, 1), 0))
    z = jnp.where(rows < N, z, 0.0)
    h2 = jnp.dot(z, w_ref[...], preferred_element_type=jnp.float32)
    a_s = jnp.dot(h2, as_ref[...], preferred_element_type=jnp.float32)
    a_d = jnp.dot(h2, ad_ref[...], preferred_element_type=jnp.float32)
    pad = jnp.zeros((h2.shape[0], 8), jnp.float32)
    hs_ref[...] = jnp.concatenate([h2, a_s, pad], axis=1)
    adp_ref[...] = jnp.concatenate([a_d, pad], axis=1)


def _node_tables_l2(acc1, b1r, W2, As2, Ad2, Erep):
    return pl.pallas_call(
        _tc2_body,
        grid=(R // TBLK,),
        in_specs=[
            pl.BlockSpec((2, TBLK, WIDTH), lambda i: (0, i, 0)),
            pl.BlockSpec((1, 64), lambda i: (0, 0)),
            pl.BlockSpec((64, 64), lambda i: (0, 0)),
            pl.BlockSpec((64, 8), lambda i: (0, 0)),
            pl.BlockSpec((64, 8), lambda i: (0, 0)),
            pl.BlockSpec((8, 64), lambda i: (0, 0)),
        ],
        out_specs=[pl.BlockSpec((TBLK, WIDTH), lambda i: (i, 0)),
                   pl.BlockSpec((TBLK, 16), lambda i: (i, 0))],
        out_shape=[jax.ShapeDtypeStruct((R, WIDTH), jnp.float32),
                   jax.ShapeDtypeStruct((R, 16), jnp.float32)],
    )(acc1, b1r, W2, As2, Ad2, Erep)


def _tc3_body(acc_ref, b_ref, o_ref):
    a = acc_ref[0] + acc_ref[1]
    o = a[:, :64] / (a[:, 64:65] + 1e-16) + b_ref[...]
    o = o - jnp.max(o, axis=1, keepdims=True)
    o_ref[...] = o - jnp.log(jnp.sum(jnp.exp(o), axis=1, keepdims=True))


def _final(acc2, b2r):
    return pl.pallas_call(
        _tc3_body,
        grid=(pl.cdiv(N, FBLK),),
        in_specs=[
            pl.BlockSpec((2, FBLK, WIDTH), lambda i: (0, i, 0)),
            pl.BlockSpec((1, 64), lambda i: (0, 0)),
        ],
        out_specs=pl.BlockSpec((FBLK, 64), lambda i: (i, 0)),
        out_shape=jax.ShapeDtypeStruct((N, 64), jnp.float32),
    )(acc2, b2r)



def kernel(x, edge_index, W1, a_src1, a_dst1, b1, W2, a_src2, a_dst2, b2):
    f32 = jnp.float32
    xp = jnp.pad(x.astype(f32), ((0, R - N), (0, 0)))
    ei = edge_index.astype(jnp.int32)
    srcp = jnp.pad(ei[0], (0, EP - EDGES))
    dstp = jnp.pad(ei[1], (0, EP - EDGES), constant_values=N)

    eye8 = jnp.eye(8, dtype=f32)
    As1 = (eye8[:, None, :] * a_src1[:, :, None]).reshape(64, 8)
    Ad1 = (eye8[:, None, :] * a_dst1[:, :, None]).reshape(64, 8)
    As2 = jnp.tile(a_src2.reshape(64, 1), (1, 8))
    Ad2 = jnp.tile(a_dst2.reshape(64, 1), (1, 8))
    Erep = (eye8[:, :, None] * jnp.ones((1, 1, 8), f32)).reshape(8, 64)

    hs1, adp1 = _node_tables_l1(xp, W1, As1, Ad1)
    acc1 = _edge_pass(hs1, adp1, srcp, dstp).reshape(2, R, WIDTH)
    hs2, adp2 = _node_tables_l2(acc1, b1.reshape(1, 64), W2, As2, Ad2, Erep)
    acc2 = _edge_pass(hs2, adp2, srcp, dstp).reshape(2, R, WIDTH)
    return _final(acc2, b2.reshape(1, 64))

# --- scband reference (transcript-rebuilt; emitter-appended) ---
"""Pipeline reference for scband-gatnet-17995912970423 (READ-ONLY COPY).

The authoritative reference and input builder live on the scoring server;
editing this copy changes nothing except your own understanding.
"""

import jax, jax.numpy as jnp
import numpy as np

N = 10000
E = 320000
D_IN = 128
D_OUT = 64
H1 = 8
C1 = 8


def gat_conv(x, edge_index, W, a_src, a_dst, bias, heads, out_ch, concat):
    n = x.shape[0]
    h = (x @ W).reshape(n, heads, out_ch)
    alpha_s = jnp.sum(h * a_src[None, :, :], axis=-1)  # [N, heads]
    alpha_d = jnp.sum(h * a_dst[None, :, :], axis=-1)  # [N, heads]
    src = edge_index[0]
    dst = edge_index[1]
    e = alpha_s[src] + alpha_d[dst]  # [E, heads]
    e = jax.nn.leaky_relu(e, negative_slope=0.2)
    emax = jax.ops.segment_max(e, dst, num_segments=n)
    emax = jnp.where(jnp.isfinite(emax), emax, 0.0)
    emax = jax.lax.stop_gradient(emax)
    ee = jnp.exp(e - emax[dst])
    denom = jax.ops.segment_sum(ee, dst, num_segments=n)
    alpha = ee / (denom[dst] + 1e-16)  # [E, heads]
    msg = h[src] * alpha[:, :, None]  # [E, heads, out_ch]
    out = jax.ops.segment_sum(msg, dst, num_segments=n)  # [N, heads, out_ch]
    if concat:
        out = out.reshape(n, heads * out_ch)
    else:
        out = out.mean(axis=1)
    return out + bias


def setup_inputs(seed: int = 0):
    key = jax.random.key(seed)
    ks = jax.random.split(key, 12)
    x = jax.random.normal(ks[0], (N, D_IN), dtype=jnp.float32)
    edge_index = jax.random.randint(ks[1], (2, E), 0, N, dtype=jnp.int64)
    W1 = jax.random.normal(ks[2], (D_IN, H1 * C1), dtype=jnp.float32) * 0.1
    a_src1 = jax.random.normal(ks[3], (H1, C1), dtype=jnp.float32) * 0.1
    a_dst1 = jax.random.normal(ks[4], (H1, C1), dtype=jnp.float32) * 0.1
    b1 = jnp.zeros((H1 * C1,), dtype=jnp.float32)
    W2 = jax.random.normal(ks[5], (H1 * C1, D_OUT), dtype=jnp.float32) * 0.1
    a_src2 = jax.random.normal(ks[6], (1, D_OUT), dtype=jnp.float32) * 0.1
    a_dst2 = jax.random.normal(ks[7], (1, D_OUT), dtype=jnp.float32) * 0.1
    b2 = jnp.zeros((D_OUT,), dtype=jnp.float32)
    return {"x": x, "edge_index": edge_index, "W1": W1, "a_src1": a_src1,
            "a_dst1": a_dst1, "b1": b1, "W2": W2, "a_src2": a_src2,
            "a_dst2": a_dst2, "b2": b2}


def reference(x, edge_index, W1, a_src1, a_dst1, b1, W2, a_src2, a_dst2, b2):
    # eval mode: dropout (p=0.6) is identity
    h = gat_conv(x, edge_index, W1, a_src1, a_dst1, b1, H1, C1, True)
    h = jax.nn.elu(h)
    h = gat_conv(h, edge_index, W2, a_src2, a_dst2, b2, 1, D_OUT, False)
    return jax.nn.log_softmax(h, axis=-1)

if __name__ == "__main__":
    import jax
    _d = setup_inputs()
    print(jax.jit(kernel)(*tuple(_d.values())))

</pallas_src>

<mosaic_0001>
#map = affine_map<(d0, d1) -> (0, 0)>
#map1 = affine_map<(d0, d1) -> (0)>
module attributes {stable_mosaic.version = 14 : i64} {
  func.func @_edge_body(%arg0: i32, %arg1: i32, %arg2: memref<10240x80xf32, #tpu.memory_space<hbm>>, %arg3: memref<10240x16xf32, #tpu.memory_space<hbm>>, %arg4: memref<323584xi32, #tpu.memory_space<hbm>>, %arg5: memref<323584xi32, #tpu.memory_space<hbm>>, %arg6: memref<20480x80xf32, #tpu.memory_space<hbm>>, %arg7: memref<128xi32, #tpu.memory_space<vmem>>, %arg8: memref<128xi32, #tpu.memory_space<vmem>>, %arg9: memref<128x80xf32, #tpu.memory_space<vmem>>, %arg10: memref<128x16xf32, #tpu.memory_space<vmem>>, %arg11: memref<128x80xf32, #tpu.memory_space<vmem>>, %arg12: memref<128x80xf32, #tpu.memory_space<vmem>>, %arg13: memref<10240x80xf32, #tpu.memory_space<vmem_shared>>, %arg14: memref<!tpu.dma_semaphore, #tpu.memory_space<semaphore_mem>>, %arg15: memref<!tpu.dma_semaphore, #tpu.memory_space<semaphore_mem>>) attributes {dimension_semantics = [#tpu.dimension_semantics<core_parallel>, #tpu.dimension_semantics<subcore_parallel>], iteration_bounds = array<i64: 2, 16>, scalar_prefetch = 0 : i64, scratch_operands = 9 : i64, tpu.core_type = #tpu.core_type<sc_vector_subcore>, window_params = [{transform_indices = #map}, {transform_indices = #map}, {transform_indices = #map1}, {transform_indices = #map1}, {transform_indices = #map}]} {
    %mul3A = arith.constant 2 : i32
    %mul3A_0 = arith.muli %arg1, %mul3A : i32
    %add3A = arith.addi %mul3A_0, %arg0 : i32
    %iota3A = tpu.iota {dimensions = array<i32: 0>} : vector<16xi32>
    %shift_right_logical3A = arith.constant 3 : i32
    %shift_right_logical3A_1 = vector.broadcast %shift_right_logical3A : i32 to vector<16xi32>
    %shift_right_logical3A_2 = arith.shrui %iota3A, %shift_right_logical3A_1 : vector<16xi32>
    %broadcast_in_dim3A = arith.constant 0.000000e+00 : f32
    %broadcast_in_dim3A_3 = vector.broadcast %broadcast_in_dim3A : f32 to vector<16xf32>
    %scan3A = arith.constant 0 : i32
    %scan3A_4 = arith.constant 0 : i32
    %scan3A_5 = arith.constant 128 : i32
    %scan3A_6 = arith.addi %scan3A_4, %scan3A_5 : i32
    %scan3A_7 = arith.constant 1 : i32
    scf.for %scan3A_71 = %scan3A_4 to %scan3A_6 step %scan3A_7  : i32 {
      %swap3A = arith.index_cast %scan3A_71 : i32 to index
      %swap3A_72 = arith.constant 0 : index
      %swap3A_73 = tpu.vector_load %arg12[%swap3A, %swap3A_72] {strides = array<i32>} : memref<128x80xf32, #tpu.memory_space<vmem>>, vector<1x16xf32>,
      %swap3A_74 = vector.shape_cast %swap3A_73 : vector<1x16xf32> to vector<16xf32>
      %swap3A_75 = vector.shape_cast %broadcast_in_dim3A_3 : vector<16xf32> to vector<1x16xf32>
      tpu.vector_store %arg12[%swap3A, %swap3A_72], %swap3A_75 {strides = array<i32>} : memref<128x80xf32, #tpu.memory_space<vmem>>, vector<1x16xf32>,
      %swap3A_76 = arith.index_cast %scan3A_71 : i32 to index
      %swap3A_77 = arith.constant 16 : index
      %swap3A_78 = tpu.vector_load %arg12[%swap3A_76, %swap3A_77] {strides = array<i32>} : memref<128x80xf32, #tpu.memory_space<vmem>>, vector<1x16xf32>,
      %swap3A_79 = vector.shape_cast %swap3A_78 : vector<1x16xf32> to vector<16xf32>
      %swap3A_80 = vector.shape_cast %broadcast_in_dim3A_3 : vector<16xf32> to vector<1x16xf32>
      tpu.vector_store %arg12[%swap3A_76, %swap3A_77], %swap3A_80 {strides = array<i32>} : memref<128x80xf32, #tpu.memory_space<vmem>>, vector<1x16xf32>,
      %swap3A_81 = arith.index_cast %scan3A_71 : i32 to index
      %swap3A_82 = arith.constant 32 : index
      %swap3A_83 = tpu.vector_load %arg12[%swap3A_81, %swap3A_82] {strides = array<i32>} : memref<128x80xf32, #tpu.memory_space<vmem>>, vector<1x16xf32>,
      %swap3A_84 = vector.shape_cast %swap3A_83 : vector<1x16xf32> to vector<16xf32>
      %swap3A_85 = vector.shape_cast %broadcast_in_dim3A_3 : vector<16xf32> to vector<1x16xf32>
      tpu.vector_store %arg12[%swap3A_81, %swap3A_82], %swap3A_85 {strides = array<i32>} : memref<128x80xf32, #tpu.memory_space<vmem>>, vector<1x16xf32>,
      %swap3A_86 = arith.index_cast %scan3A_71 : i32 to index
      %swap3A_87 = arith.constant 48 : index
      %swap3A_88 = tpu.vector_load %arg12[%swap3A_86, %swap3A_87] {strides = array<i32>} : memref<128x80xf32, #tpu.memory_space<vmem>>, vector<1x16xf32>,
      %swap3A_89 = vector.shape_cast %swap3A_88 : vector<1x16xf32> to vector<16xf32>
      %swap3A_90 = vector.shape_cast %broadcast_in_dim3A_3 : vector<16xf32> to vector<1x16xf32>
      tpu.vector_store %arg12[%swap3A_86, %swap3A_87], %swap3A_90 {strides = array<i32>} : memref<128x80xf32, #tpu.memory_space<vmem>>, vector<1x16xf32>,
      %swap3A_91 = arith.index_cast %scan3A_71 : i32 to index
      %swap3A_92 = arith.constant 64 : index
      %swap3A_93 = tpu.vector_load %arg12[%swap3A_91, %swap3A_92] {strides = array<i32>} : memref<128x80xf32, #tpu.memory_space<vmem>>, vector<1x16xf32>,
      %swap3A_94 = vector.shape_cast %swap3A_93 : vector<1x16xf32> to vector<16xf32>
      %swap3A_95 = vector.shape_cast %broadcast_in_dim3A_3 : vector<16xf32> to vector<1x16xf32>
      tpu.vector_store %arg12[%swap3A_91, %swap3A_92], %swap3A_95 {strides = array<i32>} : memref<128x80xf32, #tpu.memory_space<vmem>>, vector<1x16xf32>,
    }
    %scan3A_8 = arith.constant 128 : i32
    %mul3A_9 = arith.constant 640 : i32
    %mul3A_10 = arith.muli %arg1, %mul3A_9 : i32
    %add3A_11 = arith.constant 0 : i32
    %add3A_12 = arith.addi %mul3A_10, %add3A_11 : i32
    "tpu.region"() ({
      %run_scoped3A = tpu.sem_alloc : memref<!tpu.dma_semaphore, #tpu.memory_space<semaphore_mem>>
      %dma_start3A = arith.constant 0 : i32
      %dma_start3A_71 = tpu.memref_slice %arg13[%add3A_12, %dma_start3A] : memref<10240x80xf32, #tpu.memory_space<vmem_shared>> -> memref<128x80xf32, #tpu.memory_space<vmem_shared>>
      %dma_start3A_72 = arith.constant 0 : i32
      %dma_start3A_73 = tpu.memref_slice %arg13[%add3A_12, %dma_start3A_72] : memref<10240x80xf32, #tpu.memory_space<vmem_shared>> -> memref<128x80xf32, #tpu.memory_space<vmem_shared>>
      tpu.enqueue_dma source(%arg12 : memref<128x80xf32, #tpu.memory_space<vmem>>) target(%dma_start3A_73 : memref<128x80xf32, #tpu.memory_space<vmem_shared>>) target_semaphore(%run_scoped3A : memref<!tpu.dma_semaphore, #tpu.memory_space<semaphore_mem>>)
      %dma_wait3A = arith.constant 0 : i32
      %dma_wait3A_74 = tpu.memref_slice %arg13[%add3A_12, %dma_wait3A] : memref<10240x80xf32, #tpu.memory_space<vmem_shared>> -> memref<128x80xf32, #tpu.memory_space<vmem_shared>>
      %dma_wait3A_75 = arith.constant 0 : i32
      %dma_wait3A_76 = tpu.memref_slice %arg13[%add3A_12, %dma_wait3A_75] : memref<10240x80xf32, #tpu.memory_space<vmem_shared>> -> memref<128x80xf32, #tpu.memory_space<vmem_shared>>
      tpu.wait_dma2 semaphore(%run_scoped3A : memref<!tpu.dma_semaphore, #tpu.memory_space<semaphore_mem>>) src(%arg12 : memref<128x80xf32, #tpu.memory_space<vmem>>) dst(%dma_wait3A_76 : memref<128x80xf32, #tpu.memory_space<vmem_shared>>)
      tpu.yield
    }) : () -> ()
    %mul3A_13 = arith.constant 640 : i32
    %mul3A_14 = arith.muli %arg1, %mul3A_13 : i32
    %add3A_15 = arith.constant 128 : i32
    %add3A_16 = arith.addi %mul3A_14, %add3A_15 : i32
    "tpu.region"() ({
      %run_scoped3A = tpu.sem_alloc : memref<!tpu.dma_semaphore, #tpu.memory_space<semaphore_mem>>
      %dma_start3A = arith.constant 0 : i32
      %dma_start3A_71 = tpu.memref_slice %arg13[%add3A_16, %dma_start3A] : memref<10240x80xf32, #tpu.memory_space<vmem_shared>> -> memref<128x80xf32, #tpu.memory_space<vmem_shared>>
      %dma_start3A_72 = arith.constant 0 : i32
      %dma_start3A_73 = tpu.memref_slice %arg13[%add3A_16, %dma_start3A_72] : memref<10240x80xf32, #tpu.memory_space<vmem_shared>> -> memref<128x80xf32, #tpu.memory_space<vmem_shared>>
      tpu.enqueue_dma source(%arg12 : memref<128x80xf32, #tpu.memory_space<vmem>>) target(%dma_start3A_73 : memref<128x80xf32, #tpu.memory_space<vmem_shared>>) target_semaphore(%run_scoped3A : memref<!tpu.dma_semaphore, #tpu.memory_space<semaphore_mem>>)
      %dma_wait3A = arith.constant 0 : i32
      %dma_wait3A_74 = tpu.memref_slice %arg13[%add3A_16, %dma_wait3A] : memref<10240x80xf32, #tpu.memory_space<vmem_shared>> -> memref<128x80xf32, #tpu.memory_space<vmem_shared>>
      %dma_wait3A_75 = arith.constant 0 : i32
      %dma_wait3A_76 = tpu.memref_slice %arg13[%add3A_16, %dma_wait3A_75] : memref<10240x80xf32, #tpu.memory_space<vmem_shared>> -> memref<128x80xf32, #tpu.memory_space<vmem_shared>>
      tpu.wait_dma2 semaphore(%run_scoped3A : memref<!tpu.dma_semaphore, #tpu.memory_space<semaphore_mem>>) src(%arg12 : memref<128x80xf32, #tpu.memory_space<vmem>>) dst(%dma_wait3A_76 : memref<128x80xf32, #tpu.memory_space<vmem_shared>>)
      tpu.yield
    }) : () -> ()
    %mul3A_17 = arith.constant 640 : i32
    %mul3A_18 = arith.muli %arg1, %mul3A_17 : i32
    %add3A_19 = arith.constant 256 : i32
    %add3A_20 = arith.addi %mul3A_18, %add3A_19 : i32
    "tpu.region"() ({
      %run_scoped3A = tpu.sem_alloc : memref<!tpu.dma_semaphore, #tpu.memory_space<semaphore_mem>>
      %dma_start3A = arith.constant 0 : i32
      %dma_start3A_71 = tpu.memref_slice %arg13[%add3A_20, %dma_start3A] : memref<10240x80xf32, #tpu.memory_space<vmem_shared>> -> memref<128x80xf32, #tpu.memory_space<vmem_shared>>
      %dma_start3A_72 = arith.constant 0 : i32
      %dma_start3A_73 = tpu.memref_slice %arg13[%add3A_20, %dma_start3A_72] : memref<10240x80xf32, #tpu.memory_space<vmem_shared>> -> memref<128x80xf32, #tpu.memory_space<vmem_shared>>
      tpu.enqueue_dma source(%arg12 : memref<128x80xf32, #tpu.memory_space<vmem>>) target(%dma_start3A_73 : memref<128x80xf32, #tpu.memory_space<vmem_shared>>) target_semaphore(%run_scoped3A : memref<!tpu.dma_semaphore, #tpu.memory_space<semaphore_mem>>)
      %dma_wait3A = arith.constant 0 : i32
      %dma_wait3A_74 = tpu.memref_slice %arg13[%add3A_20, %dma_wait3A] : memref<10240x80xf32, #tpu.memory_space<vmem_shared>> -> memref<128x80xf32, #tpu.memory_space<vmem_shared>>
      %dma_wait3A_75 = arith.constant 0 : i32
      %dma_wait3A_76 = tpu.memref_slice %arg13[%add3A_20, %dma_wait3A_75] : memref<10240x80xf32, #tpu.memory_space<vmem_shared>> -> memref<128x80xf32, #tpu.memory_space<vmem_shared>>
      tpu.wait_dma2 semaphore(%run_scoped3A : memref<!tpu.dma_semaphore, #tpu.memory_space<semaphore_mem>>) src(%arg12 : memref<128x80xf32, #tpu.memory_space<vmem>>) dst(%dma_wait3A_76 : memref<128x80xf32, #tpu.memory_space<vmem_shared>>)
      tpu.yield
    }) : () -> ()
    %mul3A_21 = arith.constant 640 : i32
    %mul3A_22 = arith.muli %arg1, %mul3A_21 : i32
    %add3A_23 = arith.constant 384 : i32
    %add3A_24 = arith.addi %mul3A_22, %add3A_23 : i32
    "tpu.region"() ({
      %run_scoped3A = tpu.sem_alloc : memref<!tpu.dma_semaphore, #tpu.memory_space<semaphore_mem>>
      %dma_start3A = arith.constant 0 : i32
      %dma_start3A_71 = tpu.memref_slice %arg13[%add3A_24, %dma_start3A] : memref<10240x80xf32, #tpu.memory_space<vmem_shared>> -> memref<128x80xf32, #tpu.memory_space<vmem_shared>>
      %dma_start3A_72 = arith.constant 0 : i32
      %dma_start3A_73 = tpu.memref_slice %arg13[%add3A_24, %dma_start3A_72] : memref<10240x80xf32, #tpu.memory_space<vmem_shared>> -> memref<128x80xf32, #tpu.memory_space<vmem_shared>>
      tpu.enqueue_dma source(%arg12 : memref<128x80xf32, #tpu.memory_space<vmem>>) target(%dma_start3A_73 : memref<128x80xf32, #tpu.memory_space<vmem_shared>>) target_semaphore(%run_scoped3A : memref<!tpu.dma_semaphore, #tpu.memory_space<semaphore_mem>>)
      %dma_wait3A = arith.constant 0 : i32
      %dma_wait3A_74 = tpu.memref_slice %arg13[%add3A_24, %dma_wait3A] : memref<10240x80xf32, #tpu.memory_space<vmem_shared>> -> memref<128x80xf32, #tpu.memory_space<vmem_shared>>
      %dma_wait3A_75 = arith.constant 0 : i32
      %dma_wait3A_76 = tpu.memref_slice %arg13[%add3A_24, %dma_wait3A_75] : memref<10240x80xf32, #tpu.memory_space<vmem_shared>> -> memref<128x80xf32, #tpu.memory_space<vmem_shared>>
      tpu.wait_dma2 semaphore(%run_scoped3A : memref<!tpu.dma_semaphore, #tpu.memory_space<semaphore_mem>>) src(%arg12 : memref<128x80xf32, #tpu.memory_space<vmem>>) dst(%dma_wait3A_76 : memref<128x80xf32, #tpu.memory_space<vmem_shared>>)
      tpu.yield
    }) : () -> ()
    %mul3A_25 = arith.constant 640 : i32
    %mul3A_26 = arith.muli %arg1, %mul3A_25 : i32
    %add3A_27 = arith.constant 512 : i32
    %add3A_28 = arith.addi %mul3A_26, %add3A_27 : i32
    "tpu.region"() ({
      %run_scoped3A = tpu.sem_alloc : memref<!tpu.dma_semaphore, #tpu.memory_space<semaphore_mem>>
      %dma_start3A = arith.constant 0 : i32
      %dma_start3A_71 = tpu.memref_slice %arg13[%add3A_28, %dma_start3A] : memref<10240x80xf32, #tpu.memory_space<vmem_shared>> -> memref<128x80xf32, #tpu.memory_space<vmem_shared>>
      %dma_start3A_72 = arith.constant 0 : i32
      %dma_start3A_73 = tpu.memref_slice %arg13[%add3A_28, %dma_start3A_72] : memref<10240x80xf32, #tpu.memory_space<vmem_shared>> -> memref<128x80xf32, #tpu.memory_space<vmem_shared>>
      tpu.enqueue_dma source(%arg12 : memref<128x80xf32, #tpu.memory_space<vmem>>) target(%dma_start3A_73 : memref<128x80xf32, #tpu.memory_space<vmem_shared>>) target_semaphore(%run_scoped3A : memref<!tpu.dma_semaphore, #tpu.memory_space<semaphore_mem>>)
      %dma_wait3A = arith.constant 0 : i32
      %dma_wait3A_74 = tpu.memref_slice %arg13[%add3A_28, %dma_wait3A] : memref<10240x80xf32, #tpu.memory_space<vmem_shared>> -> memref<128x80xf32, #tpu.memory_space<vmem_shared>>
      %dma_wait3A_75 = arith.constant 0 : i32
      %dma_wait3A_76 = tpu.memref_slice %arg13[%add3A_28, %dma_wait3A_75] : memref<10240x80xf32, #tpu.memory_space<vmem_shared>> -> memref<128x80xf32, #tpu.memory_space<vmem_shared>>
      tpu.wait_dma2 semaphore(%run_scoped3A : memref<!tpu.dma_semaphore, #tpu.memory_space<semaphore_mem>>) src(%arg12 : memref<128x80xf32, #tpu.memory_space<vmem>>) dst(%dma_wait3A_76 : memref<128x80xf32, #tpu.memory_space<vmem_shared>>)
      tpu.yield
    }) : () -> ()
    %barrier3A = arith.constant 0 : index
    tpu.barrier barrier_id(%barrier3A)
    %scan3A_29 = arith.constant 0 : i32
    %scan3A_30 = arith.constant 0 : i32
    %scan3A_31 = arith.constant 79 : i32
    %scan3A_32 = arith.addi %scan3A_30, %scan3A_31 : i32
    %scan3A_33 = arith.constant 1 : i32
    scf.for %scan3A_71 = %scan3A_30 to %scan3A_32 step %scan3A_33  : i32 {
      %mul3A_72 = arith.constant 10112 : i32
      %mul3A_73 = arith.muli %add3A, %mul3A_72 : i32
      %mul3A_74 = arith.constant 128 : i32
      %mul3A_75 = arith.muli %scan3A_71, %mul3A_74 : i32
      %add3A_76 = arith.addi %mul3A_73, %mul3A_75 : i32
      "tpu.region"() ({
        %run_scoped3A = tpu.sem_alloc : memref<!tpu.dma_semaphore, #tpu.memory_space<semaphore_mem>>
        %dma_start3A_93 = tpu.memref_slice %arg4[%add3A_76] : memref<323584xi32, #tpu.memory_space<hbm>> -> memref<128xi32, #tpu.memory_space<hbm>>
        %dma_start3A_94 = tpu.memref_slice %arg4[%add3A_76] : memref<323584xi32, #tpu.memory_space<hbm>> -> memref<128xi32, #tpu.memory_space<hbm>>
        tpu.enqueue_dma source(%dma_start3A_94 : memref<128xi32, #tpu.memory_space<hbm>>) target(%arg7 : memref<128xi32, #tpu.memory_space<vmem>>) target_semaphore(%run_scoped3A : memref<!tpu.dma_semaphore, #tpu.memory_space<semaphore_mem>>)
        %dma_wait3A_95 = tpu.memref_slice %arg4[%add3A_76] : memref<323584xi32, #tpu.memory_space<hbm>> -> memref<128xi32, #tpu.memory_space<hbm>>
        %dma_wait3A_96 = tpu.memref_slice %arg4[%add3A_76] : memref<323584xi32, #tpu.memory_space<hbm>> -> memref<128xi32, #tpu.memory_space<hbm>>
        tpu.wait_dma2 semaphore(%run_scoped3A : memref<!tpu.dma_semaphore, #tpu.memory_space<semaphore_mem>>) src(%dma_wait3A_96 : memref<128xi32, #tpu.memory_space<hbm>>) dst(%arg7 : memref<128xi32, #tpu.memory_space<vmem>>)
        tpu.yield
      }) : () -> ()
      "tpu.region"() ({
        %run_scoped3A = tpu.sem_alloc : memref<!tpu.dma_semaphore, #tpu.memory_space<semaphore_mem>>
        %dma_start3A_93 = tpu.memref_slice %arg5[%add3A_76] : memref<323584xi32, #tpu.memory_space<hbm>> -> memref<128xi32, #tpu.memory_space<hbm>>
        %dma_start3A_94 = tpu.memref_slice %arg5[%add3A_76] : memref<323584xi32, #tpu.memory_space<hbm>> -> memref<128xi32, #tpu.memory_space<hbm>>
        tpu.enqueue_dma source(%dma_start3A_94 : memref<128xi32, #tpu.memory_space<hbm>>) target(%arg8 : memref<128xi32, #tpu.memory_space<vmem>>) target_semaphore(%run_scoped3A : memref<!tpu.dma_semaphore, #tpu.memory_space<semaphore_mem>>)
        %dma_wait3A_95 = tpu.memref_slice %arg5[%add3A_76] : memref<323584xi32, #tpu.memory_space<hbm>> -> memref<128xi32, #tpu.memory_space<hbm>>
        %dma_wait3A_96 = tpu.memref_slice %arg5[%add3A_76] : memref<323584xi32, #tpu.memory_space<hbm>> -> memref<128xi32, #tpu.memory_space<hbm>>
        tpu.wait_dma2 semaphore(%run_scoped3A : memref<!tpu.dma_semaphore, #tpu.memory_space<semaphore_mem>>) src(%dma_wait3A_96 : memref<128xi32, #tpu.memory_space<hbm>>) dst(%arg8 : memref<128xi32, #tpu.memory_space<vmem>>)
        tpu.yield
      }) : () -> ()
      %dma_start3A = arith.constant 0 : i32
      %dma_start3A_77 = arith.constant 0 : i32
      %dma_start3A_78 = tpu.memref_slice %arg2[%dma_start3A, %dma_start3A_77] : memref<10240x80xf32, #tpu.memory_space<hbm>> -> memref<10240x80xf32, #tpu.memory_space<hbm>>
      tpu.enqueue_indirect_dma source(%dma_start3A_78 : memref<10240x80xf32, #tpu.memory_space<hbm>>) target(%arg9 : memref<128x80xf32, #tpu.memory_space<vmem>>) offsets(%arg7 : memref<128xi32, #tpu.memory_space<vmem>>) semaphore(%arg14 : memref<!tpu.dma_semaphore, #tpu.memory_space<semaphore_mem>>)
      %dma_start3A_79 = arith.constant 0 : i32
      %dma_start3A_80 = arith.constant 0 : i32
      %dma_start3A_81 = tpu.memref_slice %arg3[%dma_start3A_79, %dma_start3A_80] : memref<10240x16xf32, #tpu.memory_space<hbm>> -> memref<10240x16xf32, #tpu.memory_space<hbm>>
      tpu.enqueue_indirect_dma source(%dma_start3A_81 : memref<10240x16xf32, #tpu.memory_space<hbm>>) target(%arg10 : memref<128x16xf32, #tpu.memory_space<vmem>>) offsets(%arg8 : memref<128xi32, #tpu.memory_space<vmem>>) semaphore(%arg15 : memref<!tpu.dma_semaphore, #tpu.memory_space<semaphore_mem>>)
      %dma_wait3A = arith.constant 0 : i32
      %dma_wait3A_82 = arith.constant 0 : i32
      %dma_wait3A_83 = tpu.memref_slice %arg2[%dma_wait3A, %dma_wait3A_82] : memref<10240x80xf32, #tpu.memory_space<hbm>> -> memref<10240x80xf32, #tpu.memory_space<hbm>>
      tpu.wait_indirect_dma semaphore(%arg14 : memref<!tpu.dma_semaphore, #tpu.memory_space<semaphore_mem>>) src(%dma_wait3A_83 : memref<10240x80xf32, #tpu.memory_space<hbm>>) dst(%arg9 : memref<128x80xf32, #tpu.memory_space<vmem>>)
      %dma_wait3A_84 = arith.constant 0 : i32
      %dma_wait3A_85 = arith.constant 0 : i32
      %dma_wait3A_86 = tpu.memref_slice %arg3[%dma_wait3A_84, %dma_wait3A_85] : memref<10240x16xf32, #tpu.memory_space<hbm>> -> memref<10240x16xf32, #tpu.memory_space<hbm>>
      tpu.wait_indirect_dma semaphore(%arg15 : memref<!tpu.dma_semaphore, #tpu.memory_space<semaphore_mem>>) src(%dma_wait3A_86 : memref<10240x16xf32, #tpu.memory_space<hbm>>) dst(%arg10 : memref<128x16xf32, #tpu.memory_space<vmem>>)
      %scan3A_87 = arith.constant 0 : i32
      %scan3A_88 = arith.constant 0 : i32
      %scan3A_89 = arith.constant 128 : i32
      %scan3A_90 = arith.addi %scan3A_88, %scan3A_89 : i32
      %scan3A_91 = arith.constant 1 : i32
      scf.for %scan3A_93 = %scan3A_88 to %scan3A_90 step %scan3A_91  : i32 {
        %get3A = arith.index_cast %scan3A_93 : i32 to index
        %get3A_94 = arith.constant 64 : index
        %get3A_95 = tpu.vector_load %arg9[%get3A, %get3A_94] {strides = array<i32>} : memref<128x80xf32, #tpu.memory_space<vmem>>, vector<1x16xf32>,
        %get3A_96 = vector.shape_cast %get3A_95 : vector<1x16xf32> to vector<16xf32>
        %get3A_97 = arith.index_cast %scan3A_93 : i32 to index
        %get3A_98 = arith.constant 0 : index
        %get3A_99 = tpu.vector_load %arg10[%get3A_97, %get3A_98] {strides = array<i32>} : memref<128x16xf32, #tpu.memory_space<vmem>>, vector<1x16xf32>,
        %get3A_100 = vector.shape_cast %get3A_99 : vector<1x16xf32> to vector<16xf32>
        %add3A_101 = arith.addf %get3A_96, %get3A_100 : vector<16xf32>
        %ge3A = arith.constant 0.000000e+00 : f32
        %ge3A_102 = vector.broadcast %ge3A : f32 to vector<16xf32>
        %ge3A_103 = arith.cmpf oge, %add3A_101, %ge3A_102 : vector<16xf32>
        %mul3A_104 = arith.constant 2.000000e-01 : f32
        %mul3A_105 = vector.broadcast %mul3A_104 : f32 to vector<16xf32>
        %mul3A_106 = arith.mulf %mul3A_105, %add3A_101 : vector<16xf32>
        %select_n3A = arith.select %ge3A_103, %add3A_101, %mul3A_106 : vector<16xi1>, vector<16xf32>
        %exp3A = math.exp %select_n3A : vector<16xf32>
        %get3A_107 = arith.index_cast %scan3A_93 : i32 to index
        %get3A_108 = arith.constant 0 : index
        %get3A_109 = tpu.vector_load %arg9[%get3A_107, %get3A_108] {strides = array<i32>} : memref<128x80xf32, #tpu.memory_space<vmem>>, vector<1x16xf32>,
        %get3A_110 = vector.shape_cast %get3A_109 : vector<1x16xf32> to vector<16xf32>
        %add3A_111 = arith.constant 0 : i32
        %add3A_112 = vector.broadcast %add3A_111 : i32 to vector<16xi32>
        %add3A_113 = arith.addi %add3A_112, %shift_right_logical3A_2 : vector<16xi32>
        %lt3A = arith.constant 0 : i32
        %lt3A_114 = vector.broadcast %lt3A : i32 to vector<16xi32>
        %lt3A_115 = arith.cmpi slt, %add3A_113, %lt3A_114 : vector<16xi32>
        %add3A_116 = arith.constant 16 : i32
        %add3A_117 = vector.broadcast %add3A_116 : i32 to vector<16xi32>
        %add3A_118 = arith.addi %add3A_113, %add3A_117 : vector<16xi32>
        %select_n3A_119 = arith.select %lt3A_115, %add3A_118, %add3A_113 : vector<16xi1>, vector<16xi32>
        %broadcast_in_dim3A_120 = vector.shape_cast %select_n3A_119 : vector<16xi32> to vector<16x1xi32>
        %gather3A = vector.shape_cast %broadcast_in_dim3A_120 : vector<16x1xi32> to vector<16xi32>
        %gather3A_121 = tpu.dynamic_gather %exp3A[%gather3A] in [0] : vector<16xf32>, vector<16xi32> -> vector<16xf32>
        %mul3A_122 = arith.mulf %get3A_110, %gather3A_121 : vector<16xf32>
        %swap3A = arith.index_cast %scan3A_93 : i32 to index
        %swap3A_123 = arith.constant 0 : index
        %swap3A_124 = tpu.vector_load %arg11[%swap3A, %swap3A_123] {strides = array<i32>} : memref<128x80xf32, #tpu.memory_space<vmem>>, vector<1x16xf32>,
        %swap3A_125 = vector.shape_cast %swap3A_124 : vector<1x16xf32> to vector<16xf32>
        %swap3A_126 = vector.shape_cast %mul3A_122 : vector<16xf32> to vector<1x16xf32>
        tpu.vector_store %arg11[%swap3A, %swap3A_123], %swap3A_126 {strides = array<i32>} : memref<128x80xf32, #tpu.memory_space<vmem>>, vector<1x16xf32>,
        %get3A_127 = arith.index_cast %scan3A_93 : i32 to index
        %get3A_128 = arith.constant 16 : index
        %get3A_129 = tpu.vector_load %arg9[%get3A_127, %get3A_128] {strides = array<i32>} : memref<128x80xf32, #tpu.memory_space<vmem>>, vector<1x16xf32>,
        %get3A_130 = vector.shape_cast %get3A_129 : vector<1x16xf32> to vector<16xf32>
        %add3A_131 = arith.constant 2 : i32
        %add3A_132 = vector.broadcast %add3A_131 : i32 to vector<16xi32>
        %add3A_133 = arith.addi %add3A_132, %shift_right_logical3A_2 : vector<16xi32>
        %lt3A_134 = arith.constant 0 : i32
        %lt3A_135 = vector.broadcast %lt3A_134 : i32 to vector<16xi32>
        %lt3A_136 = arith.cmpi slt, %add3A_133, %lt3A_135 : vector<16xi32>
        %add3A_137 = arith.constant 16 : i32
        %add3A_138 = vector.broadcast %add3A_137 : i32 to vector<16xi32>
        %add3A_139 = arith.addi %add3A_133, %add3A_138 : vector<16xi32>
        %select_n3A_140 = arith.select %lt3A_136, %add3A_139, %add3A_133 : vector<16xi1>, vector<16xi32>
        %broadcast_in_dim3A_141 = vector.shape_cast %select_n3A_140 : vector<16xi32> to vector<16x1xi32>
        %gather3A_142 = vector.shape_cast %broadcast_in_dim3A_141 : vector<16x1xi32> to vector<16xi32>
        %gather3A_143 = tpu.dynamic_gather %exp3A[%gather3A_142] in [0] : vector<16xf32>, vector<16xi32> -> vector<16xf32>
        %mul3A_144 = arith.mulf %get3A_130, %gather3A_143 : vector<16xf32>
        %swap3A_145 = arith.index_cast %scan3A_93 : i32 to index
        %swap3A_146 = arith.constant 16 : index
        %swap3A_147 = tpu.vector_load %arg11[%swap3A_145, %swap3A_146] {strides = array<i32>} : memref<128x80xf32, #tpu.memory_space<vmem>>, vector<1x16xf32>,
        %swap3A_148 = vector.shape_cast %swap3A_147 : vector<1x16xf32> to vector<16xf32>
        %swap3A_149 = vector.shape_cast %mul3A_144 : vector<16xf32> to vector<1x16xf32>
        tpu.vector_store %arg11[%swap3A_145, %swap3A_146], %swap3A_149 {strides = array<i32>} : memref<128x80xf32, #tpu.memory_space<vmem>>, vector<1x16xf32>,
        %get3A_150 = arith.index_cast %scan3A_93 : i32 to index
        %get3A_151 = arith.constant 32 : index
        %get3A_152 = tpu.vector_load %arg9[%get3A_150, %get3A_151] {strides = array<i32>} : memref<128x80xf32, #tpu.memory_space<vmem>>, vector<1x16xf32>,
        %get3A_153 = vector.shape_cast %get3A_152 : vector<1x16xf32> to vector<16xf32>
        %add3A_154 = arith.constant 4 : i32
        %add3A_155 = vector.broadcast %add3A_154 : i32 to vector<16xi32>
        %add3A_156 = arith.addi %add3A_155, %shift_right_logical3A_2 : vector<16xi32>
        %lt3A_157 = arith.constant 0 : i32
        %lt3A_158 = vector.broadcast %lt3A_157 : i32 to vector<16xi32>
        %lt3A_159 = arith.cmpi slt, %add3A_156, %lt3A_158 : vector<16xi32>
        %add3A_160 = arith.constant 16 : i32
        %add3A_161 = vector.broadcast %add3A_160 : i32 to vector<16xi32>
        %add3A_162 = arith.addi %add3A_156, %add3A_161 : vector<16xi32>
        %select_n3A_163 = arith.select %lt3A_159, %add3A_162, %add3A_156 : vector<16xi1>, vector<16xi32>
        %broadcast_in_dim3A_164 = vector.shape_cast %select_n3A_163 : vector<16xi32> to vector<16x1xi32>
        %gather3A_165 = vector.shape_cast %broadcast_in_dim3A_164 : vector<16x1xi32> to vector<16xi32>
        %gather3A_166 = tpu.dynamic_gather %exp3A[%gather3A_165] in [0] : vector<16xf32>, vector<16xi32> -> vector<16xf32>
        %mul3A_167 = arith.mulf %get3A_153, %gather3A_166 : vector<16xf32>
        %swap3A_168 = arith.index_cast %scan3A_93 : i32 to index
        %swap3A_169 = arith.constant 32 : index
        %swap3A_170 = tpu.vector_load %arg11[%swap3A_168, %swap3A_169] {strides = array<i32>} : memref<128x80xf32, #tpu.memory_space<vmem>>, vector<1x16xf32>,
        %swap3A_171 = vector.shape_cast %swap3A_170 : vector<1x16xf32> to vector<16xf32>
        %swap3A_172 = vector.shape_cast %mul3A_167 : vector<16xf32> to vector<1x16xf32>
        tpu.vector_store %arg11[%swap3A_168, %swap3A_169], %swap3A_172 {strides = array<i32>} : memref<128x80xf32, #tpu.memory_space<vmem>>, vector<1x16xf32>,
        %get3A_173 = arith.index_cast %scan3A_93 : i32 to index
        %get3A_174 = arith.constant 48 : index
        %get3A_175 = tpu.vector_load %arg9[%get3A_173, %get3A_174] {strides = array<i32>} : memref<128x80xf32, #tpu.memory_space<vmem>>, vector<1x16xf32>,
        %get3A_176 = vector.shape_cast %get3A_175 : vector<1x16xf32> to vector<16xf32>
        %add3A_177 = arith.constant 6 : i32
        %add3A_178 = vector.broadcast %add3A_177 : i32 to vector<16xi32>
        %add3A_179 = arith.addi %add3A_178, %shift_right_logical3A_2 : vector<16xi32>
        %lt3A_180 = arith.constant 0 : i32
        %lt3A_181 = vector.broadcast %lt3A_180 : i32 to vector<16xi32>
        %lt3A_182 = arith.cmpi slt, %add3A_179, %lt3A_181 : vector<16xi32>
        %add3A_183 = arith.constant 16 : i32
        %add3A_184 = vector.broadcast %add3A_183 : i32 to vector<16xi32>
        %add3A_185 = arith.addi %add3A_179, %add3A_184 : vector<16xi32>
        %select_n3A_186 = arith.select %lt3A_182, %add3A_185, %add3A_179 : vector<16xi1>, vector<16xi32>
        %broadcast_in_dim3A_187 = vector.shape_cast %select_n3A_186 : vector<16xi32> to vector<16x1xi32>
        %gather3A_188 = vector.shape_cast %broadcast_in_dim3A_187 : vector<16x1xi32> to vector<16xi32>
        %gather3A_189 = tpu.dynamic_gather %exp3A[%gather3A_188] in [0] : vector<16xf32>, vector<16xi32> -> vector<16xf32>
        %mul3A_190 = arith.mulf %get3A_176, %gather3A_189 : vector<16xf32>
        %swap3A_191 = arith.index_cast %scan3A_93 : i32 to index
        %swap3A_192 = arith.constant 48 : index
        %swap3A_193 = tpu.vector_load %arg11[%swap3A_191, %swap3A_192] {strides = array<i32>} : memref<128x80xf32, #tpu.memory_space<vmem>>, vector<1x16xf32>,
        %swap3A_194 = vector.shape_cast %swap3A_193 : vector<1x16xf32> to vector<16xf32>
        %swap3A_195 = vector.shape_cast %mul3A_190 : vector<16xf32> to vector<1x16xf32>
        tpu.vector_store %arg11[%swap3A_191, %swap3A_192], %swap3A_195 {strides = array<i32>} : memref<128x80xf32, #tpu.memory_space<vmem>>, vector<1x16xf32>,
        %lt3A_196 = arith.constant 8 : i32
        %lt3A_197 = vector.broadcast %lt3A_196 : i32 to vector<16xi32>
        %lt3A_198 = arith.cmpi slt, %iota3A, %lt3A_197 : vector<16xi32>
        %jit3A = arith.constant 0.000000e+00 : f32
        %broadcast_in_dim3A_199 = vector.broadcast %jit3A : f32 to vector<16xf32>
        %select_n3A_200 = arith.select %lt3A_198, %exp3A, %broadcast_in_dim3A_199 : vector<16xi1>, vector<16xf32>
        %swap3A_201 = arith.index_cast %scan3A_93 : i32 to index
        %swap3A_202 = arith.constant 64 : index
        %swap3A_203 = tpu.vector_load %arg11[%swap3A_201, %swap3A_202] {strides = array<i32>} : memref<128x80xf32, #tpu.memory_space<vmem>>, vector<1x16xf32>,
        %swap3A_204 = vector.shape_cast %swap3A_203 : vector<1x16xf32> to vector<16xf32>
        %swap3A_205 = vector.shape_cast %select_n3A_200 : vector<16xf32> to vector<1x16xf32>
        tpu.vector_store %arg11[%swap3A_201, %swap3A_202], %swap3A_205 {strides = array<i32>} : memref<128x80xf32, #tpu.memory_space<vmem>>, vector<1x16xf32>,
      }
      %scan3A_92 = arith.constant 128 : i32
      "tpu.region"() ({
        %run_scoped3A = tpu.sem_alloc : memref<!tpu.dma_semaphore, #tpu.memory_space<semaphore_mem>>
        %dma_start3A_93 = arith.constant 0 : i32
        %dma_start3A_94 = arith.constant 0 : i32
        %dma_start3A_95 = tpu.memref_slice %arg13[%dma_start3A_93, %dma_start3A_94] : memref<10240x80xf32, #tpu.memory_space<vmem_shared>> -> memref<10240x80xf32, #tpu.memory_space<vmem_shared>>
        tpu.enqueue_indirect_dma source(%arg11 : memref<128x80xf32, #tpu.memory_space<vmem>>) target(%dma_start3A_95 : memref<10240x80xf32, #tpu.memory_space<vmem_shared>>) offsets(%arg8 : memref<128xi32, #tpu.memory_space<vmem>>) semaphore(%run_scoped3A : memref<!tpu.dma_semaphore, #tpu.memory_space<semaphore_mem>>) {add = true}
        %dma_wait3A_96 = arith.constant 0 : i32
        %dma_wait3A_97 = arith.constant 0 : i32
        %dma_wait3A_98 = tpu.memref_slice %arg13[%dma_wait3A_96, %dma_wait3A_97] : memref<10240x80xf32, #tpu.memory_space<vmem_shared>> -> memref<10240x80xf32, #tpu.memory_space<vmem_shared>>
        tpu.wait_indirect_dma semaphore(%run_scoped3A : memref<!tpu.dma_semaphore, #tpu.memory_space<semaphore_mem>>) src(%arg11 : memref<128x80xf32, #tpu.memory_space<vmem>>) dst(%dma_wait3A_98 : memref<10240x80xf32, #tpu.memory_space<vmem_shared>>)
        tpu.yield
      }) : () -> ()
    }
    %scan3A_34 = arith.constant 79 : i32
    %barrier3A_35 = arith.constant 0 : index
    tpu.barrier barrier_id(%barrier3A_35)
    %mul3A_36 = arith.constant 640 : i32
    %mul3A_37 = arith.muli %arg1, %mul3A_36 : i32
    %add3A_38 = arith.constant 0 : i32
    %add3A_39 = arith.addi %mul3A_37, %add3A_38 : i32
    "tpu.region"() ({
      %run_scoped3A = tpu.sem_alloc : memref<!tpu.dma_semaphore, #tpu.memory_space<semaphore_mem>>
      %dma_start3A = arith.constant 0 : i32
      %dma_start3A_71 = tpu.memref_slice %arg13[%add3A_39, %dma_start3A] : memref<10240x80xf32, #tpu.memory_space<vmem_shared>> -> memref<128x80xf32, #tpu.memory_space<vmem_shared>>
      %dma_start3A_72 = arith.constant 0 : i32
      %dma_start3A_73 = tpu.memref_slice %arg13[%add3A_39, %dma_start3A_72] : memref<10240x80xf32, #tpu.memory_space<vmem_shared>> -> memref<128x80xf32, #tpu.memory_space<vmem_shared>>
      tpu.enqueue_dma source(%dma_start3A_73 : memref<128x80xf32, #tpu.memory_space<vmem_shared>>) target(%arg12 : memref<128x80xf32, #tpu.memory_space<vmem>>) target_semaphore(%run_scoped3A : memref<!tpu.dma_semaphore, #tpu.memory_space<semaphore_mem>>)
      %dma_wait3A = arith.constant 0 : i32
      %dma_wait3A_74 = tpu.memref_slice %arg13[%add3A_39, %dma_wait3A] : memref<10240x80xf32, #tpu.memory_space<vmem_shared>> -> memref<128x80xf32, #tpu.memory_space<vmem_shared>>
      %dma_wait3A_75 = arith.constant 0 : i32
      %dma_wait3A_76 = tpu.memref_slice %arg13[%add3A_39, %dma_wait3A_75] : memref<10240x80xf32, #tpu.memory_space<vmem_shared>> -> memref<128x80xf32, #tpu.memory_space<vmem_shared>>
      tpu.wait_dma2 semaphore(%run_scoped3A : memref<!tpu.dma_semaphore, #tpu.memory_space<semaphore_mem>>) src(%dma_wait3A_76 : memref<128x80xf32, #tpu.memory_space<vmem_shared>>) dst(%arg12 : memref<128x80xf32, #tpu.memory_space<vmem>>)
      tpu.yield
    }) : () -> ()
    %mul3A_40 = arith.constant 10240 : i32
    %mul3A_41 = arith.muli %arg0, %mul3A_40 : i32
    %add3A_42 = arith.addi %mul3A_41, %add3A_39 : i32
    "tpu.region"() ({
      %run_scoped3A = tpu.sem_alloc : memref<!tpu.dma_semaphore, #tpu.memory_space<semaphore_mem>>
      %dma_start3A = arith.constant 0 : i32
      %dma_start3A_71 = tpu.memref_slice %arg6[%add3A_42, %dma_start3A] : memref<20480x80xf32, #tpu.memory_space<hbm>> -> memref<128x80xf32, #tpu.memory_space<hbm>>
      %dma_start3A_72 = arith.constant 0 : i32
      %dma_start3A_73 = tpu.memref_slice %arg6[%add3A_42, %dma_start3A_72] : memref<20480x80xf32, #tpu.memory_space<hbm>> -> memref<128x80xf32, #tpu.memory_space<hbm>>
      tpu.enqueue_dma source(%arg12 : memref<128x80xf32, #tpu.memory_space<vmem>>) target(%dma_start3A_73 : memref<128x80xf32, #tpu.memory_space<hbm>>) target_semaphore(%run_scoped3A : memref<!tpu.dma_semaphore, #tpu.memory_space<semaphore_mem>>)
      %dma_wait3A = arith.constant 0 : i32
      %dma_wait3A_74 = tpu.memref_slice %arg6[%add3A_42, %dma_wait3A] : memref<20480x80xf32, #tpu.memory_space<hbm>> -> memref<128x80xf32, #tpu.memory_space<hbm>>
      %dma_wait3A_75 = arith.constant 0 : i32
      %dma_wait3A_76 = tpu.memref_slice %arg6[%add3A_42, %dma_wait3A_75] : memref<20480x80xf32, #tpu.memory_space<hbm>> -> memref<128x80xf32, #tpu.memory_space<hbm>>
      tpu.wait_dma2 semaphore(%run_scoped3A : memref<!tpu.dma_semaphore, #tpu.memory_space<semaphore_mem>>) src(%arg12 : memref<128x80xf32, #tpu.memory_space<vmem>>) dst(%dma_wait3A_76 : memref<128x80xf32, #tpu.memory_space<hbm>>)
      tpu.yield
    }) : () -> ()
    %mul3A_43 = arith.constant 640 : i32
    %mul3A_44 = arith.muli %arg1, %mul3A_43 : i32
    %add3A_45 = arith.constant 128 : i32
    %add3A_46 = arith.addi %mul3A_44, %add3A_45 : i32
    "tpu.region"() ({
      %run_scoped3A = tpu.sem_alloc : memref<!tpu.dma_semaphore, #tpu.memory_space<semaphore_mem>>
      %dma_start3A = arith.constant 0 : i32
      %dma_start3A_71 = tpu.memref_slice %arg13[%add3A_46, %dma_start3A] : memref<10240x80xf32, #tpu.memory_space<vmem_shared>> -> memref<128x80xf32, #tpu.memory_space<vmem_shared>>
      %dma_start3A_72 = arith.constant 0 : i32
      %dma_start3A_73 = tpu.memref_slice %arg13[%add3A_46, %dma_start3A_72] : memref<10240x80xf32, #tpu.memory_space<vmem_shared>> -> memref<128x80xf32, #tpu.memory_space<vmem_shared>>
      tpu.enqueue_dma source(%dma_start3A_73 : memref<128x80xf32, #tpu.memory_space<vmem_shared>>) target(%arg12 : memref<128x80xf32, #tpu.memory_space<vmem>>) target_semaphore(%run_scoped3A : memref<!tpu.dma_semaphore, #tpu.memory_space<semaphore_mem>>)
      %dma_wait3A = arith.constant 0 : i32
      %dma_wait3A_74 = tpu.memref_slice %arg13[%add3A_46, %dma_wait3A] : memref<10240x80xf32, #tpu.memory_space<vmem_shared>> -> memref<128x80xf32, #tpu.memory_space<vmem_shared>>
      %dma_wait3A_75 = arith.constant 0 : i32
      %dma_wait3A_76 = tpu.memref_slice %arg13[%add3A_46, %dma_wait3A_75] : memref<10240x80xf32, #tpu.memory_space<vmem_shared>> -> memref<128x80xf32, #tpu.memory_space<vmem_shared>>
      tpu.wait_dma2 semaphore(%run_scoped3A : memref<!tpu.dma_semaphore, #tpu.memory_space<semaphore_mem>>) src(%dma_wait3A_76 : memref<128x80xf32, #tpu.memory_space<vmem_shared>>) dst(%arg12 : memref<128x80xf32, #tpu.memory_space<vmem>>)
      tpu.yield
    }) : () -> ()
    %mul3A_47 = arith.constant 10240 : i32
    %mul3A_48 = arith.muli %arg0, %mul3A_47 : i32
    %add3A_49 = arith.addi %mul3A_48, %add3A_46 : i32
    "tpu.region"() ({
      %run_scoped3A = tpu.sem_alloc : memref<!tpu.dma_semaphore, #tpu.memory_space<semaphore_mem>>
      %dma_start3A = arith.constant 0 : i32
      %dma_start3A_71 = tpu.memref_slice %arg6[%add3A_49, %dma_start3A] : memref<20480x80xf32, #tpu.memory_space<hbm>> -> memref<128x80xf32, #tpu.memory_space<hbm>>
      %dma_start3A_72 = arith.constant 0 : i32
      %dma_start3A_73 = tpu.memref_slice %arg6[%add3A_49, %dma_start3A_72] : memref<20480x80xf32, #tpu.memory_space<hbm>> -> memref<128x80xf32, #tpu.memory_space<hbm>>
      tpu.enqueue_dma source(%arg12 : memref<128x80xf32, #tpu.memory_space<vmem>>) target(%dma_start3A_73 : memref<128x80xf32, #tpu.memory_space<hbm>>) target_semaphore(%run_scoped3A : memref<!tpu.dma_semaphore, #tpu.memory_space<semaphore_mem>>)
      %dma_wait3A = arith.constant 0 : i32
      %dma_wait3A_74 = tpu.memref_slice %arg6[%add3A_49, %dma_wait3A] : memref<20480x80xf32, #tpu.memory_space<hbm>> -> memref<128x80xf32, #tpu.memory_space<hbm>>
      %dma_wait3A_75 = arith.constant 0 : i32
      %dma_wait3A_76 = tpu.memref_slice %arg6[%add3A_49, %dma_wait3A_75] : memref<20480x80xf32, #tpu.memory_space<hbm>> -> memref<128x80xf32, #tpu.memory_space<hbm>>
      tpu.wait_dma2 semaphore(%run_scoped3A : memref<!tpu.dma_semaphore, #tpu.memory_space<semaphore_mem>>) src(%arg12 : memref<128x80xf32, #tpu.memory_space<vmem>>) dst(%dma_wait3A_76 : memref<128x80xf32, #tpu.memory_space<hbm>>)
      tpu.yield
    }) : () -> ()
    %mul3A_50 = arith.constant 640 : i32
    %mul3A_51 = arith.muli %arg1, %mul3A_50 : i32
    %add3A_52 = arith.constant 256 : i32
    %add3A_53 = arith.addi %mul3A_51, %add3A_52 : i32
    "tpu.region"() ({
      %run_scoped3A = tpu.sem_alloc : memref<!tpu.dma_semaphore, #tpu.memory_space<semaphore_mem>>
      %dma_start3A = arith.constant 0 : i32
      %dma_start3A_71 = tpu.memref_slice %arg13[%add3A_53, %dma_start3A] : memref<10240x80xf32, #tpu.memory_space<vmem_shared>> -> memref<128x80xf32, #tpu.memory_space<vmem_shared>>
      %dma_start3A_72 = arith.constant 0 : i32
      %dma_start3A_73 = tpu.memref_slice %arg13[%add3A_53, %dma_start3A_72] : memref<10240x80xf32, #tpu.memory_space<vmem_shared>> -> memref<128x80xf32, #tpu.memory_space<vmem_shared>>
      tpu.enqueue_dma source(%dma_start3A_73 : memref<128x80xf32, #tpu.memory_space<vmem_shared>>) target(%arg12 : memref<128x80xf32, #tpu.memory_space<vmem>>) target_semaphore(%run_scoped3A : memref<!tpu.dma_semaphore, #tpu.memory_space<semaphore_mem>>)
      %dma_wait3A = arith.constant 0 : i32
      %dma_wait3A_74 = tpu.memref_slice %arg13[%add3A_53, %dma_wait3A] : memref<10240x80xf32, #tpu.memory_space<vmem_shared>> -> memref<128x80xf32, #tpu.memory_space<vmem_shared>>
      %dma_wait3A_75 = arith.constant 0 : i32
      %dma_wait3A_76 = tpu.memref_slice %arg13[%add3A_53, %dma_wait3A_75] : memref<10240x80xf32, #tpu.memory_space<vmem_shared>> -> memref<128x80xf32, #tpu.memory_space<vmem_shared>>
      tpu.wait_dma2 semaphore(%run_scoped3A : memref<!tpu.dma_semaphore, #tpu.memory_space<semaphore_mem>>) src(%dma_wait3A_76 : memref<128x80xf32, #tpu.memory_space<vmem_shared>>) dst(%arg12 : memref<128x80xf32, #tpu.memory_space<vmem>>)
      tpu.yield
    }) : () -> ()
    %mul3A_54 = arith.constant 10240 : i32
    %mul3A_55 = arith.muli %arg0, %mul3A_54 : i32
    %add3A_56 = arith.addi %mul3A_55, %add3A_53 : i32
    "tpu.region"() ({
      %run_scoped3A = tpu.sem_alloc : memref<!tpu.dma_semaphore, #tpu.memory_space<semaphore_mem>>
      %dma_start3A = arith.constant 0 : i32
      %dma_start3A_71 = tpu.memref_slice %arg6[%add3A_56, %dma_start3A] : memref<20480x80xf32, #tpu.memory_space<hbm>> -> memref<128x80xf32, #tpu.memory_space<hbm>>
      %dma_start3A_72 = arith.constant 0 : i32
      %dma_start3A_73 = tpu.memref_slice %arg6[%add3A_56, %dma_start3A_72] : memref<20480x80xf32, #tpu.memory_space<hbm>> -> memref<128x80xf32, #tpu.memory_space<hbm>>
      tpu.enqueue_dma source(%arg12 : memref<128x80xf32, #tpu.memory_space<vmem>>) target(%dma_start3A_73 : memref<128x80xf32, #tpu.memory_space<hbm>>) target_semaphore(%run_scoped3A : memref<!tpu.dma_semaphore, #tpu.memory_space<semaphore_mem>>)
      %dma_wait3A = arith.constant 0 : i32
      %dma_wait3A_74 = tpu.memref_slice %arg6[%add3A_56, %dma_wait3A] : memref<20480x80xf32, #tpu.memory_space<hbm>> -> memref<128x80xf32, #tpu.memory_space<hbm>>
      %dma_wait3A_75 = arith.constant 0 : i32
      %dma_wait3A_76 = tpu.memref_slice %arg6[%add3A_56, %dma_wait3A_75] : memref<20480x80xf32, #tpu.memory_space<hbm>> -> memref<128x80xf32, #tpu.memory_space<hbm>>
      tpu.wait_dma2 semaphore(%run_scoped3A : memref<!tpu.dma_semaphore, #tpu.memory_space<semaphore_mem>>) src(%arg12 : memref<128x80xf32, #tpu.memory_space<vmem>>) dst(%dma_wait3A_76 : memref<128x80xf32, #tpu.memory_space<hbm>>)
      tpu.yield
    }) : () -> ()
    %mul3A_57 = arith.constant 640 : i32
    %mul3A_58 = arith.muli %arg1, %mul3A_57 : i32
    %add3A_59 = arith.constant 384 : i32
    %add3A_60 = arith.addi %mul3A_58, %add3A_59 : i32
    "tpu.region"() ({
      %run_scoped3A = tpu.sem_alloc : memref<!tpu.dma_semaphore, #tpu.memory_space<semaphore_mem>>
      %dma_start3A = arith.constant 0 : i32
      %dma_start3A_71 = tpu.memref_slice %arg13[%add3A_60, %dma_start3A] : memref<10240x80xf32, #tpu.memory_space<vmem_shared>> -> memref<128x80xf32, #tpu.memory_space<vmem_shared>>
      %dma_start3A_72 = arith.constant 0 : i32
      %dma_start3A_73 = tpu.memref_slice %arg13[%add3A_60, %dma_start3A_72] : memref<10240x80xf32, #tpu.memory_space<vmem_shared>> -> memref<128x80xf32, #tpu.memory_space<vmem_shared>>
      tpu.enqueue_dma source(%dma_start3A_73 : memref<128x80xf32, #tpu.memory_space<vmem_shared>>) target(%arg12 : memref<128x80xf32, #tpu.memory_space<vmem>>) target_semaphore(%run_scoped3A : memref<!tpu.dma_semaphore, #tpu.memory_space<semaphore_mem>>)
      %dma_wait3A = arith.constant 0 : i32
      %dma_wait3A_74 = tpu.memref_slice %arg13[%add3A_60, %dma_wait3A] : memref<10240x80xf32, #tpu.memory_space<vmem_shared>> -> memref<128x80xf32, #tpu.memory_space<vmem_shared>>
      %dma_wait3A_75 = arith.constant 0 : i32
      %dma_wait3A_76 = tpu.memref_slice %arg13[%add3A_60, %dma_wait3A_75] : memref<10240x80xf32, #tpu.memory_space<vmem_shared>> -> memref<128x80xf32, #tpu.memory_space<vmem_shared>>
      tpu.wait_dma2 semaphore(%run_scoped3A : memref<!tpu.dma_semaphore, #tpu.memory_space<semaphore_mem>>) src(%dma_wait3A_76 : memref<128x80xf32, #tpu.memory_space<vmem_shared>>) dst(%arg12 : memref<128x80xf32, #tpu.memory_space<vmem>>)
      tpu.yield
    }) : () -> ()
    %mul3A_61 = arith.constant 10240 : i32
    %mul3A_62 = arith.muli %arg0, %mul3A_61 : i32
    %add3A_63 = arith.addi %mul3A_62, %add3A_60 : i32
    "tpu.region"() ({
      %run_scoped3A = tpu.sem_alloc : memref<!tpu.dma_semaphore, #tpu.memory_space<semaphore_mem>>
      %dma_start3A = arith.constant 0 : i32
      %dma_start3A_71 = tpu.memref_slice %arg6[%add3A_63, %dma_start3A] : memref<20480x80xf32, #tpu.memory_space<hbm>> -> memref<128x80xf32, #tpu.memory_space<hbm>>
      %dma_start3A_72 = arith.constant 0 : i32
      %dma_start3A_73 = tpu.memref_slice %arg6[%add3A_63, %dma_start3A_72] : memref<20480x80xf32, #tpu.memory_space<hbm>> -> memref<128x80xf32, #tpu.memory_space<hbm>>
      tpu.enqueue_dma source(%arg12 : memref<128x80xf32, #tpu.memory_space<vmem>>) target(%dma_start3A_73 : memref<128x80xf32, #tpu.memory_space<hbm>>) target_semaphore(%run_scoped3A : memref<!tpu.dma_semaphore, #tpu.memory_space<semaphore_mem>>)
      %dma_wait3A = arith.constant 0 : i32
      %dma_wait3A_74 = tpu.memref_slice %arg6[%add3A_63, %dma_wait3A] : memref<20480x80xf32, #tpu.memory_space<hbm>> -> memref<128x80xf32, #tpu.memory_space<hbm>>
      %dma_wait3A_75 = arith.constant 0 : i32
      %dma_wait3A_76 = tpu.memref_slice %arg6[%add3A_63, %dma_wait3A_75] : memref<20480x80xf32, #tpu.memory_space<hbm>> -> memref<128x80xf32, #tpu.memory_space<hbm>>
      tpu.wait_dma2 semaphore(%run_scoped3A : memref<!tpu.dma_semaphore, #tpu.memory_space<semaphore_mem>>) src(%arg12 : memref<128x80xf32, #tpu.memory_space<vmem>>) dst(%dma_wait3A_76 : memref<128x80xf32, #tpu.memory_space<hbm>>)
      tpu.yield
    }) : () -> ()
    %mul3A_64 = arith.constant 640 : i32
    %mul3A_65 = arith.muli %arg1, %mul3A_64 : i32
    %add3A_66 = arith.constant 512 : i32
    %add3A_67 = arith.addi %mul3A_65, %add3A_66 : i32
    "tpu.region"() ({
      %run_scoped3A = tpu.sem_alloc : memref<!tpu.dma_semaphore, #tpu.memory_space<semaphore_mem>>
      %dma_start3A = arith.constant 0 : i32
      %dma_start3A_71 = tpu.memref_slice %arg13[%add3A_67, %dma_start3A] : memref<10240x80xf32, #tpu.memory_space<vmem_shared>> -> memref<128x80xf32, #tpu.memory_space<vmem_shared>>
      %dma_start3A_72 = arith.constant 0 : i32
      %dma_start3A_73 = tpu.memref_slice %arg13[%add3A_67, %dma_start3A_72] : memref<10240x80xf32, #tpu.memory_space<vmem_shared>> -> memref<128x80xf32, #tpu.memory_space<vmem_shared>>
      tpu.enqueue_dma source(%dma_start3A_73 : memref<128x80xf32, #tpu.memory_space<vmem_shared>>) target(%arg12 : memref<128x80xf32, #tpu.memory_space<vmem>>) target_semaphore(%run_scoped3A : memref<!tpu.dma_semaphore, #tpu.memory_space<semaphore_mem>>)
      %dma_wait3A = arith.constant 0 : i32
      %dma_wait3A_74 = tpu.memref_slice %arg13[%add3A_67, %dma_wait3A] : memref<10240x80xf32, #tpu.memory_space<vmem_shared>> -> memref<128x80xf32, #tpu.memory_space<vmem_shared>>
      %dma_wait3A_75 = arith.constant 0 : i32
      %dma_wait3A_76 = tpu.memref_slice %arg13[%add3A_67, %dma_wait3A_75] : memref<10240x80xf32, #tpu.memory_space<vmem_shared>> -> memref<128x80xf32, #tpu.memory_space<vmem_shared>>
      tpu.wait_dma2 semaphore(%run_scoped3A : memref<!tpu.dma_semaphore, #tpu.memory_space<semaphore_mem>>) src(%dma_wait3A_76 : memref<128x80xf32, #tpu.memory_space<vmem_shared>>) dst(%arg12 : memref<128x80xf32, #tpu.memory_space<vmem>>)
      tpu.yield
    }) : () -> ()
    %mul3A_68 = arith.constant 10240 : i32
    %mul3A_69 = arith.muli %arg0, %mul3A_68 : i32
    %add3A_70 = arith.addi %mul3A_69, %add3A_67 : i32
    "tpu.region"() ({
      %run_scoped3A = tpu.sem_alloc : memref<!tpu.dma_semaphore, #tpu.memory_space<semaphore_mem>>
      %dma_start3A = arith.constant 0 : i32
      %dma_start3A_71 = tpu.memref_slice %arg6[%add3A_70, %dma_start3A] : memref<20480x80xf32, #tpu.memory_space<hbm>> -> memref<128x80xf32, #tpu.memory_space<hbm>>
      %dma_start3A_72 = arith.constant 0 : i32
      %dma_start3A_73 = tpu.memref_slice %arg6[%add3A_70, %dma_start3A_72] : memref<20480x80xf32, #tpu.memory_space<hbm>> -> memref<128x80xf32, #tpu.memory_space<hbm>>
      tpu.enqueue_dma source(%arg12 : memref<128x80xf32, #tpu.memory_space<vmem>>) target(%dma_start3A_73 : memref<128x80xf32, #tpu.memory_space<hbm>>) target_semaphore(%run_scoped3A : memref<!tpu.dma_semaphore, #tpu.memory_space<semaphore_mem>>)
      %dma_wait3A = arith.constant 0 : i32
      %dma_wait3A_74 = tpu.memref_slice %arg6[%add3A_70, %dma_wait3A] : memref<20480x80xf32, #tpu.memory_space<hbm>> -> memref<128x80xf32, #tpu.memory_space<hbm>>
      %dma_wait3A_75 = arith.constant 0 : i32
      %dma_wait3A_76 = tpu.memref_slice %arg6[%add3A_70, %dma_wait3A_75] : memref<20480x80xf32, #tpu.memory_space<hbm>> -> memref<128x80xf32, #tpu.memory_space<hbm>>
      tpu.wait_dma2 semaphore(%run_scoped3A : memref<!tpu.dma_semaphore, #tpu.memory_space<semaphore_mem>>) src(%arg12 : memref<128x80xf32, #tpu.memory_space<vmem>>) dst(%dma_wait3A_76 : memref<128x80xf32, #tpu.memory_space<hbm>>)
      tpu.yield
    }) : () -> ()
    return
  }
}

#map = affine_map<(d0, d1) -> (0, 0)>
#map1 = affine_map<(d0, d1) -> (0)>
module attributes {stable_mosaic.version = 14 : i64} {
  func.func @_edge_body(%arg0: i32, %arg1: i32, %arg2: memref<10240x80xf32, #tpu.memory_space<hbm>>, %arg3: memref<10240x16xf32, #tpu.memory_space<hbm>>, %arg4: memref<323584xi32, #tpu.memory_space<hbm>>, %arg5: memref<323584xi32, #tpu.memory_space<hbm>>, %arg6: memref<20480x80xf32, #tpu.memory_space<hbm>>, %arg7: memref<128xi32, #tpu.memory_space<vmem>>, %arg8: memref<128xi32, #tpu.memory_space<vmem>>, %arg9: memref<128x80xf32, #tpu.memory_space<vmem>>, %arg10: memref<128x16xf32, #tpu.memory_space<vmem>>, %arg11: memref<128x80xf32, #tpu.memory_space<vmem>>, %arg12: memref<128x80xf32, #tpu.memory_space<vmem>>, %arg13: memref<10240x80xf32, #tpu.memory_space<vmem_shared>>, %arg14: memref<!tpu.dma_semaphore, #tpu.memory_space<semaphore_mem>>, %arg15: memref<!tpu.dma_semaphore, #tpu.memory_space<semaphore_mem>>) attributes {dimension_semantics = [#tpu.dimension_semantics<core_parallel>, #tpu.dimension_semantics<subcore_parallel>], iteration_bounds = array<i64: 2, 16>, scalar_prefetch = 0 : i64, scratch_operands = 9 : i64, tpu.core_type = #tpu.core_type<sc_vector_subcore>, window_params = [{transform_indices = #map}, {transform_indices = #map}, {transform_indices = #map1}, {transform_indices = #map1}, {transform_indices = #map}]} {
    %mul3A = arith.constant 2 : i32
    %mul3A_0 = arith.muli %arg1, %mul3A : i32
    %add3A = arith.addi %mul3A_0, %arg0 : i32
    %iota3A = tpu.iota {dimensions = array<i32: 0>} : vector<16xi32>
    %shift_right_logical3A = arith.constant 3 : i32
    %shift_right_logical3A_1 = vector.broadcast %shift_right_logical3A : i32 to vector<16xi32>
    %shift_right_logical3A_2 = arith.shrui %iota3A, %shift_right_logical3A_1 : vector<16xi32>
    %broadcast_in_dim3A = arith.constant 0.000000e+00 : f32
    %broadcast_in_dim3A_3 = vector.broadcast %broadcast_in_dim3A : f32 to vector<16xf32>
    %scan3A = arith.constant 0 : i32
    %scan3A_4 = arith.constant 0 : i32
    %scan3A_5 = arith.constant 128 : i32
    %scan3A_6 = arith.addi %scan3A_4, %scan3A_5 : i32
    %scan3A_7 = arith.constant 1 : i32
    scf.for %scan3A_71 = %scan3A_4 to %scan3A_6 step %scan3A_7  : i32 {
      %swap3A = arith.index_cast %scan3A_71 : i32 to index
      %swap3A_72 = arith.constant 0 : index
      %swap3A_73 = tpu.vector_load %arg12[%swap3A, %swap3A_72] {strides = array<i32>} : memref<128x80xf32, #tpu.memory_space<vmem>>, vector<1x16xf32>,
      %swap3A_74 = vector.shape_cast %swap3A_73 : vector<1x16xf32> to vector<16xf32>
      %swap3A_75 = vector.shape_cast %broadcast_in_dim3A_3 : vector<16xf32> to vector<1x16xf32>
      tpu.vector_store %arg12[%swap3A, %swap3A_72], %swap3A_75 {strides = array<i32>} : memref<128x80xf32, #tpu.memory_space<vmem>>, vector<1x16xf32>,
      %swap3A_76 = arith.index_cast %scan3A_71 : i32 to index
      %swap3A_77 = arith.constant 16 : index
      %swap3A_78 = tpu.vector_load %arg12[%swap3A_76, %swap3A_77] {strides = array<i32>} : memref<128x80xf32, #tpu.memory_space<vmem>>, vector<1x16xf32>,
      %swap3A_79 = vector.shape_cast %swap3A_78 : vector<1x16xf32> to vector<16xf32>
      %swap3A_80 = vector.shape_cast %broadcast_in_dim3A_3 : vector<16xf32> to vector<1x16xf32>
      tpu.vector_store %arg12[%swap3A_76, %swap3A_77], %swap3A_80 {strides = array<i32>} : memref<128x80xf32, #tpu.memory_space<vmem>>, vector<1x16xf32>,
      %swap3A_81 = arith.index_cast %scan3A_71 : i32 to index
      %swap3A_82 = arith.constant 32 : index
      %swap3A_83 = tpu.vector_load %arg12[%swap3A_81, %swap3A_82] {strides = array<i32>} : memref<128x80xf32, #tpu.memory_space<vmem>>, vector<1x16xf32>,
      %swap3A_84 = vector.shape_cast %swap3A_83 : vector<1x16xf32> to vector<16xf32>
      %swap3A_85 = vector.shape_cast %broadcast_in_dim3A_3 : vector<16xf32> to vector<1x16xf32>
      tpu.vector_store %arg12[%swap3A_81, %swap3A_82], %swap3A_85 {strides = array<i32>} : memref<128x80xf32, #tpu.memory_space<vmem>>, vector<1x16xf32>,
      %swap3A_86 = arith.index_cast %scan3A_71 : i32 to index
      %swap3A_87 = arith.constant 48 : index
      %swap3A_88 = tpu.vector_load %arg12[%swap3A_86, %swap3A_87] {strides = array<i32>} : memref<128x80xf32, #tpu.memory_space<vmem>>, vector<1x16xf32>,
      %swap3A_89 = vector.shape_cast %swap3A_88 : vector<1x16xf32> to vector<16xf32>
      %swap3A_90 = vector.shape_cast %broadcast_in_dim3A_3 : vector<16xf32> to vector<1x16xf32>
      tpu.vector_store %arg12[%swap3A_86, %swap3A_87], %swap3A_90 {strides = array<i32>} : memref<128x80xf32, #tpu.memory_space<vmem>>, vector<1x16xf32>,
      %swap3A_91 = arith.index_cast %scan3A_71 : i32 to index
      %swap3A_92 = arith.constant 64 : index
      %swap3A_93 = tpu.vector_load %arg12[%swap3A_91, %swap3A_92] {strides = array<i32>} : memref<128x80xf32, #tpu.memory_space<vmem>>, vector<1x16xf32>,
      %swap3A_94 = vector.shape_cast %swap3A_93 : vector<1x16xf32> to vector<16xf32>
      %swap3A_95 = vector.shape_cast %broadcast_in_dim3A_3 : vector<16xf32> to vector<1x16xf32>
      tpu.vector_store %arg12[%swap3A_91, %swap3A_92], %swap3A_95 {strides = array<i32>} : memref<128x80xf32, #tpu.memory_space<vmem>>, vector<1x16xf32>,
    }
    %scan3A_8 = arith.constant 128 : i32
    %mul3A_9 = arith.constant 640 : i32
    %mul3A_10 = arith.muli %arg1, %mul3A_9 : i32
    %add3A_11 = arith.constant 0 : i32
    %add3A_12 = arith.addi %mul3A_10, %add3A_11 : i32
    "tpu.region"() ({
      %run_scoped3A = tpu.sem_alloc : memref<!tpu.dma_semaphore, #tpu.memory_space<semaphore_mem>>
      %dma_start3A = arith.constant 0 : i32
      %dma_start3A_71 = tpu.memref_slice %arg13[%add3A_12, %dma_start3A] : memref<10240x80xf32, #tpu.memory_space<vmem_shared>> -> memref<128x80xf32, #tpu.memory_space<vmem_shared>>
      %dma_start3A_72 = arith.constant 0 : i32
      %dma_start3A_73 = tpu.memref_slice %arg13[%add3A_12, %dma_start3A_72] : memref<10240x80xf32, #tpu.memory_space<vmem_shared>> -> memref<128x80xf32, #tpu.memory_space<vmem_shared>>
      tpu.enqueue_dma source(%arg12 : memref<128x80xf32, #tpu.memory_space<vmem>>) target(%dma_start3A_73 : memref<128x80xf32, #tpu.memory_space<vmem_shared>>) target_semaphore(%run_scoped3A : memref<!tpu.dma_semaphore, #tpu.memory_space<semaphore_mem>>)
      %dma_wait3A = arith.constant 0 : i32
      %dma_wait3A_74 = tpu.memref_slice %arg13[%add3A_12, %dma_wait3A] : memref<10240x80xf32, #tpu.memory_space<vmem_shared>> -> memref<128x80xf32, #tpu.memory_space<vmem_shared>>
      %dma_wait3A_75 = arith.constant 0 : i32
      %dma_wait3A_76 = tpu.memref_slice %arg13[%add3A_12, %dma_wait3A_75] : memref<10240x80xf32, #tpu.memory_space<vmem_shared>> -> memref<128x80xf32, #tpu.memory_space<vmem_shared>>
      tpu.wait_dma2 semaphore(%run_scoped3A : memref<!tpu.dma_semaphore, #tpu.memory_space<semaphore_mem>>) src(%arg12 : memref<128x80xf32, #tpu.memory_space<vmem>>) dst(%dma_wait3A_76 : memref<128x80xf32, #tpu.memory_space<vmem_shared>>)
      tpu.yield
    }) : () -> ()
    %mul3A_13 = arith.constant 640 : i32
    %mul3A_14 = arith.muli %arg1, %mul3A_13 : i32
    %add3A_15 = arith.constant 128 : i32
    %add3A_16 = arith.addi %mul3A_14, %add3A_15 : i32
    "tpu.region"() ({
      %run_scoped3A = tpu.sem_alloc : memref<!tpu.dma_semaphore, #tpu.memory_space<semaphore_mem>>
      %dma_start3A = arith.constant 0 : i32
      %dma_start3A_71 = tpu.memref_slice %arg13[%add3A_16, %dma_start3A] : memref<10240x80xf32, #tpu.memory_space<vmem_shared>> -> memref<128x80xf32, #tpu.memory_space<vmem_shared>>
      %dma_start3A_72 = arith.constant 0 : i32
      %dma_start3A_73 = tpu.memref_slice %arg13[%add3A_16, %dma_start3A_72] : memref<10240x80xf32, #tpu.memory_space<vmem_shared>> -> memref<128x80xf32, #tpu.memory_space<vmem_shared>>
      tpu.enqueue_dma source(%arg12 : memref<128x80xf32, #tpu.memory_space<vmem>>) target(%dma_start3A_73 : memref<128x80xf32, #tpu.memory_space<vmem_shared>>) target_semaphore(%run_scoped3A : memref<!tpu.dma_semaphore, #tpu.memory_space<semaphore_mem>>)
      %dma_wait3A = arith.constant 0 : i32
      %dma_wait3A_74 = tpu.memref_slice %arg13[%add3A_16, %dma_wait3A] : memref<10240x80xf32, #tpu.memory_space<vmem_shared>> -> memref<128x80xf32, #tpu.memory_space<vmem_shared>>
      %dma_wait3A_75 = arith.constant 0 : i32
      %dma_wait3A_76 = tpu.memref_slice %arg13[%add3A_16, %dma_wait3A_75] : memref<10240x80xf32, #tpu.memory_space<vmem_shared>> -> memref<128x80xf32, #tpu.memory_space<vmem_shared>>
      tpu.wait_dma2 semaphore(%run_scoped3A : memref<!tpu.dma_semaphore, #tpu.memory_space<semaphore_mem>>) src(%arg12 : memref<128x80xf32, #tpu.memory_space<vmem>>) dst(%dma_wait3A_76 : memref<128x80xf32, #tpu.memory_space<vmem_shared>>)
      tpu.yield
    }) : () -> ()
    %mul3A_17 = arith.constant 640 : i32
    %mul3A_18 = arith.muli %arg1, %mul3A_17 : i32
    %add3A_19 = arith.constant 256 : i32
    %add3A_20 = arith.addi %mul3A_18, %add3A_19 : i32
    "tpu.region"() ({
      %run_scoped3A = tpu.sem_alloc : memref<!tpu.dma_semaphore, #tpu.memory_space<semaphore_mem>>
      %dma_start3A = arith.constant 0 : i32
      %dma_start3A_71 = tpu.memref_slice %arg13[%add3A_20, %dma_start3A] : memref<10240x80xf32, #tpu.memory_space<vmem_shared>> -> memref<128x80xf32, #tpu.memory_space<vmem_shared>>
      %dma_start3A_72 = arith.constant 0 : i32
      %dma_start3A_73 = tpu.memref_slice %arg13[%add3A_20, %dma_start3A_72] : memref<10240x80xf32, #tpu.memory_space<vmem_shared>> -> memref<128x80xf32, #tpu.memory_space<vmem_shared>>
      tpu.enqueue_dma source(%arg12 : memref<128x80xf32, #tpu.memory_space<vmem>>) target(%dma_start3A_73 : memref<128x80xf32, #tpu.memory_space<vmem_shared>>) target_semaphore(%run_scoped3A : memref<!tpu.dma_semaphore, #tpu.memory_space<semaphore_mem>>)
      %dma_wait3A = arith.constant 0 : i32
      %dma_wait3A_74 = tpu.memref_slice %arg13[%add3A_20, %dma_wait3A] : memref<10240x80xf32, #tpu.memory_space<vmem_shared>> -> memref<128x80xf32, #tpu.memory_space<vmem_shared>>
      %dma_wait3A_75 = arith.constant 0 : i32
      %dma_wait3A_76 = tpu.memref_slice %arg13[%add3A_20, %dma_wait3A_75] : memref<10240x80xf32, #tpu.memory_space<vmem_shared>> -> memref<128x80xf32, #tpu.memory_space<vmem_shared>>
      tpu.wait_dma2 semaphore(%run_scoped3A : memref<!tpu.dma_semaphore, #tpu.memory_space<semaphore_mem>>) src(%arg12 : memref<128x80xf32, #tpu.memory_space<vmem>>) dst(%dma_wait3A_76 : memref<128x80xf32, #tpu.memory_space<vmem_shared>>)
      tpu.yield
    }) : () -> ()
    %mul3A_21 = arith.constant 640 : i32
    %mul3A_22 = arith.muli %arg1, %mul3A_21 : i32
    %add3A_23 = arith.constant 384 : i32
    %add3A_24 = arith.addi %mul3A_22, %add3A_23 : i32
    "tpu.region"() ({
      %run_scoped3A = tpu.sem_alloc : memref<!tpu.dma_semaphore, #tpu.memory_space<semaphore_mem>>
      %dma_start3A = arith.constant 0 : i32
      %dma_start3A_71 = tpu.memref_slice %arg13[%add3A_24, %dma_start3A] : memref<10240x80xf32, #tpu.memory_space<vmem_shared>> -> memref<128x80xf32, #tpu.memory_space<vmem_shared>>
      %dma_start3A_72 = arith.constant 0 : i32
      %dma_start3A_73 = tpu.memref_slice %arg13[%add3A_24, %dma_start3A_72] : memref<10240x80xf32, #tpu.memory_space<vmem_shared>> -> memref<128x80xf32, #tpu.memory_space<vmem_shared>>
      tpu.enqueue_dma source(%arg12 : memref<128x80xf32, #tpu.memory_space<vmem>>) target(%dma_start3A_73 : memref<128x80xf32, #tpu.memory_space<vmem_shared>>) target_semaphore(%run_scoped3A : memref<!tpu.dma_semaphore, #tpu.memory_space<semaphore_mem>>)
      %dma_wait3A = arith.constant 0 : i32
      %dma_wait3A_74 = tpu.memref_slice %arg13[%add3A_24, %dma_wait3A] : memref<10240x80xf32, #tpu.memory_space<vmem_shared>> -> memref<128x80xf32, #tpu.memory_space<vmem_shared>>
      %dma_wait3A_75 = arith.constant 0 : i32
      %dma_wait3A_76 = tpu.memref_slice %arg13[%add3A_24, %dma_wait3A_75] : memref<10240x80xf32, #tpu.memory_space<vmem_shared>> -> memref<128x80xf32, #tpu.memory_space<vmem_shared>>
      tpu.wait_dma2 semaphore(%run_scoped3A : memref<!tpu.dma_semaphore, #tpu.memory_space<semaphore_mem>>) src(%arg12 : memref<128x80xf32, #tpu.memory_space<vmem>>) dst(%dma_wait3A_76 : memref<128x80xf32, #tpu.memory_space<vmem_shared>>)
      tpu.yield
    }) : () -> ()
    %mul3A_25 = arith.constant 640 : i32
    %mul3A_26 = arith.muli %arg1, %mul3A_25 : i32
    %add3A_27 = arith.constant 512 : i32
    %add3A_28 = arith.addi %mul3A_26, %add3A_27 : i32
    "tpu.region"() ({
      %run_scoped3A = tpu.sem_alloc : memref<!tpu.dma_semaphore, #tpu.memory_space<semaphore_mem>>
      %dma_start3A = arith.constant 0 : i32
      %dma_start3A_71 = tpu.memref_slice %arg13[%add3A_28, %dma_start3A] : memref<10240x80xf32, #tpu.memory_space<vmem_shared>> -> memref<128x80xf32, #tpu.memory_space<vmem_shared>>
      %dma_start3A_72 = arith.constant 0 : i32
      %dma_start3A_73 = tpu.memref_slice %arg13[%add3A_28, %dma_start3A_72] : memref<10240x80xf32, #tpu.memory_space<vmem_shared>> -> memref<128x80xf32, #tpu.memory_space<vmem_shared>>
      tpu.enqueue_dma source(%arg12 : memref<128x80xf32, #tpu.memory_space<vmem>>) target(%dma_start3A_73 : memref<128x80xf32, #tpu.memory_space<vmem_shared>>) target_semaphore(%run_scoped3A : memref<!tpu.dma_semaphore, #tpu.memory_space<semaphore_mem>>)
      %dma_wait3A = arith.constant 0 : i32
      %dma_wait3A_74 = tpu.memref_slice %arg13[%add3A_28, %dma_wait3A] : memref<10240x80xf32, #tpu.memory_space<vmem_shared>> -> memref<128x80xf32, #tpu.memory_space<vmem_shared>>
      %dma_wait3A_75 = arith.constant 0 : i32
      %dma_wait3A_76 = tpu.memref_slice %arg13[%add3A_28, %dma_wait3A_75] : memref<10240x80xf32, #tpu.memory_space<vmem_shared>> -> memref<128x80xf32, #tpu.memory_space<vmem_shared>>
      tpu.wait_dma2 semaphore(%run_scoped3A : memref<!tpu.dma_semaphore, #tpu.memory_space<semaphore_mem>>) src(%arg12 : memref<128x80xf32, #tpu.memory_space<vmem>>) dst(%dma_wait3A_76 : memref<128x80xf32, #tpu.memory_space<vmem_shared>>)
      tpu.yield
    }) : () -> ()
    %barrier3A = arith.constant 0 : index
    tpu.barrier barrier_id(%barrier3A)
    %scan3A_29 = arith.constant 0 : i32
    %scan3A_30 = arith.constant 0 : i32
    %scan3A_31 = arith.constant 79 : i32
    %scan3A_32 = arith.addi %scan3A_30, %scan3A_31 : i32
    %scan3A_33 = arith.constant 1 : i32
    scf.for %scan3A_71 = %scan3A_30 to %scan3A_32 step %scan3A_33  : i32 {
      %mul3A_72 = arith.constant 10112 : i32
      %mul3A_73 = arith.muli %add3A, %mul3A_72 : i32
      %mul3A_74 = arith.constant 128 : i32
      %mul3A_75 = arith.muli %scan3A_71, %mul3A_74 : i32
      %add3A_76 = arith.addi %mul3A_73, %mul3A_75 : i32
      "tpu.region"() ({
        %run_scoped3A = tpu.sem_alloc : memref<!tpu.dma_semaphore, #tpu.memory_space<semaphore_mem>>
        %dma_start3A_93 = tpu.memref_slice %arg4[%add3A_76] : memref<323584xi32, #tpu.memory_space<hbm>> -> memref<128xi32, #tpu.memory_space<hbm>>
        %dma_start3A_94 = tpu.memref_slice %arg4[%add3A_76] : memref<323584xi32, #tpu.memory_space<hbm>> -> memref<128xi32, #tpu.memory_space<hbm>>
        tpu.enqueue_dma source(%dma_start3A_94 : memref<128xi32, #tpu.memory_space<hbm>>) target(%arg7 : memref<128xi32, #tpu.memory_space<vmem>>) target_semaphore(%run_scoped3A : memref<!tpu.dma_semaphore, #tpu.memory_space<semaphore_mem>>)
        %dma_wait3A_95 = tpu.memref_slice %arg4[%add3A_76] : memref<323584xi32, #tpu.memory_space<hbm>> -> memref<128xi32, #tpu.memory_space<hbm>>
        %dma_wait3A_96 = tpu.memref_slice %arg4[%add3A_76] : memref<323584xi32, #tpu.memory_space<hbm>> -> memref<128xi32, #tpu.memory_space<hbm>>
        tpu.wait_dma2 semaphore(%run_scoped3A : memref<!tpu.dma_semaphore, #tpu.memory_space<semaphore_mem>>) src(%dma_wait3A_96 : memref<128xi32, #tpu.memory_space<hbm>>) dst(%arg7 : memref<128xi32, #tpu.memory_space<vmem>>)
        tpu.yield
      }) : () -> ()
      "tpu.region"() ({
        %run_scoped3A = tpu.sem_alloc : memref<!tpu.dma_semaphore, #tpu.memory_space<semaphore_mem>>
        %dma_start3A_93 = tpu.memref_slice %arg5[%add3A_76] : memref<323584xi32, #tpu.memory_space<hbm>> -> memref<128xi32, #tpu.memory_space<hbm>>
        %dma_start3A_94 = tpu.memref_slice %arg5[%add3A_76] : memref<323584xi32, #tpu.memory_space<hbm>> -> memref<128xi32, #tpu.memory_space<hbm>>
        tpu.enqueue_dma source(%dma_start3A_94 : memref<128xi32, #tpu.memory_space<hbm>>) target(%arg8 : memref<128xi32, #tpu.memory_space<vmem>>) target_semaphore(%run_scoped3A : memref<!tpu.dma_semaphore, #tpu.memory_space<semaphore_mem>>)
        %dma_wait3A_95 = tpu.memref_slice %arg5[%add3A_76] : memref<323584xi32, #tpu.memory_space<hbm>> -> memref<128xi32, #tpu.memory_space<hbm>>
        %dma_wait3A_96 = tpu.memref_slice %arg5[%add3A_76] : memref<323584xi32, #tpu.memory_space<hbm>> -> memref<128xi32, #tpu.memory_space<hbm>>
        tpu.wait_dma2 semaphore(%run_scoped3A : memref<!tpu.dma_semaphore, #tpu.memory_space<semaphore_mem>>) src(%dma_wait3A_96 : memref<128xi32, #tpu.memory_space<hbm>>) dst(%arg8 : memref<128xi32, #tpu.memory_space<vmem>>)
        tpu.yield
      }) : () -> ()
      %dma_start3A = arith.constant 0 : i32
      %dma_start3A_77 = arith.constant 0 : i32
      %dma_start3A_78 = tpu.memref_slice %arg2[%dma_start3A, %dma_start3A_77] : memref<10240x80xf32, #tpu.memory_space<hbm>> -> memref<10240x80xf32, #tpu.memory_space<hbm>>
      tpu.enqueue_indirect_dma source(%dma_start3A_78 : memref<10240x80xf32, #tpu.memory_space<hbm>>) target(%arg9 : memref<128x80xf32, #tpu.memory_space<vmem>>) offsets(%arg7 : memref<128xi32, #tpu.memory_space<vmem>>) semaphore(%arg14 : memref<!tpu.dma_semaphore, #tpu.memory_space<semaphore_mem>>)
      %dma_start3A_79 = arith.constant 0 : i32
      %dma_start3A_80 = arith.constant 0 : i32
      %dma_start3A_81 = tpu.memref_slice %arg3[%dma_start3A_79, %dma_start3A_80] : memref<10240x16xf32, #tpu.memory_space<hbm>> -> memref<10240x16xf32, #tpu.memory_space<hbm>>
      tpu.enqueue_indirect_dma source(%dma_start3A_81 : memref<10240x16xf32, #tpu.memory_space<hbm>>) target(%arg10 : memref<128x16xf32, #tpu.memory_space<vmem>>) offsets(%arg8 : memref<128xi32, #tpu.memory_space<vmem>>) semaphore(%arg15 : memref<!tpu.dma_semaphore, #tpu.memory_space<semaphore_mem>>)
      %dma_wait3A = arith.constant 0 : i32
      %dma_wait3A_82 = arith.constant 0 : i32
      %dma_wait3A_83 = tpu.memref_slice %arg2[%dma_wait3A, %dma_wait3A_82] : memref<10240x80xf32, #tpu.memory_space<hbm>> -> memref<10240x80xf32, #tpu.memory_space<hbm>>
      tpu.wait_indirect_dma semaphore(%arg14 : memref<!tpu.dma_semaphore, #tpu.memory_space<semaphore_mem>>) src(%dma_wait3A_83 : memref<10240x80xf32, #tpu.memory_space<hbm>>) dst(%arg9 : memref<128x80xf32, #tpu.memory_space<vmem>>)
      %dma_wait3A_84 = arith.constant 0 : i32
      %dma_wait3A_85 = arith.constant 0 : i32
      %dma_wait3A_86 = tpu.memref_slice %arg3[%dma_wait3A_84, %dma_wait3A_85] : memref<10240x16xf32, #tpu.memory_space<hbm>> -> memref<10240x16xf32, #tpu.memory_space<hbm>>
      tpu.wait_indirect_dma semaphore(%arg15 : memref<!tpu.dma_semaphore, #tpu.memory_space<semaphore_mem>>) src(%dma_wait3A_86 : memref<10240x16xf32, #tpu.memory_space<hbm>>) dst(%arg10 : memref<128x16xf32, #tpu.memory_space<vmem>>)
      %scan3A_87 = arith.constant 0 : i32
      %scan3A_88 = arith.constant 0 : i32
      %scan3A_89 = arith.constant 128 : i32
      %scan3A_90 = arith.addi %scan3A_88, %scan3A_89 : i32
      %scan3A_91 = arith.constant 1 : i32
      scf.for %scan3A_93 = %scan3A_88 to %scan3A_90 step %scan3A_91  : i32 {
        %get3A = arith.index_cast %scan3A_93 : i32 to index
        %get3A_94 = arith.constant 64 : index
        %get3A_95 = tpu.vector_load %arg9[%get3A, %get3A_94] {strides = array<i32>} : memref<128x80xf32, #tpu.memory_space<vmem>>, vector<1x16xf32>,
        %get3A_96 = vector.shape_cast %get3A_95 : vector<1x16xf32> to vector<16xf32>
        %get3A_97 = arith.index_cast %scan3A_93 : i32 to index
        %get3A_98 = arith.constant 0 : index
        %get3A_99 = tpu.vector_load %arg10[%get3A_97, %get3A_98] {strides = array<i32>} : memref<128x16xf32, #tpu.memory_space<vmem>>, vector<1x16xf32>,
        %get3A_100 = vector.shape_cast %get3A_99 : vector<1x16xf32> to vector<16xf32>
        %add3A_101 = arith.addf %get3A_96, %get3A_100 : vector<16xf32>
        %ge3A = arith.constant 0.000000e+00 : f32
        %ge3A_102 = vector.broadcast %ge3A : f32 to vector<16xf32>
        %ge3A_103 = arith.cmpf oge, %add3A_101, %ge3A_102 : vector<16xf32>
        %mul3A_104 = arith.constant 2.000000e-01 : f32
        %mul3A_105 = vector.broadcast %mul3A_104 : f32 to vector<16xf32>
        %mul3A_106 = arith.mulf %mul3A_105, %add3A_101 : vector<16xf32>
        %select_n3A = arith.select %ge3A_103, %add3A_101, %mul3A_106 : vector<16xi1>, vector<16xf32>
        %exp3A = math.exp %select_n3A : vector<16xf32>
        %get3A_107 = arith.index_cast %scan3A_93 : i32 to index
        %get3A_108 = arith.constant 0 : index
        %get3A_109 = tpu.vector_load %arg9[%get3A_107, %get3A_108] {strides = array<i32>} : memref<128x80xf32, #tpu.memory_space<vmem>>, vector<1x16xf32>,
        %get3A_110 = vector.shape_cast %get3A_109 : vector<1x16xf32> to vector<16xf32>
        %add3A_111 = arith.constant 0 : i32
        %add3A_112 = vector.broadcast %add3A_111 : i32 to vector<16xi32>
        %add3A_113 = arith.addi %add3A_112, %shift_right_logical3A_2 : vector<16xi32>
        %lt3A = arith.constant 0 : i32
        %lt3A_114 = vector.broadcast %lt3A : i32 to vector<16xi32>
        %lt3A_115 = arith.cmpi slt, %add3A_113, %lt3A_114 : vector<16xi32>
        %add3A_116 = arith.constant 16 : i32
        %add3A_117 = vector.broadcast %add3A_116 : i32 to vector<16xi32>
        %add3A_118 = arith.addi %add3A_113, %add3A_117 : vector<16xi32>
        %select_n3A_119 = arith.select %lt3A_115, %add3A_118, %add3A_113 : vector<16xi1>, vector<16xi32>
        %broadcast_in_dim3A_120 = vector.shape_cast %select_n3A_119 : vector<16xi32> to vector<16x1xi32>
        %gather3A = vector.shape_cast %broadcast_in_dim3A_120 : vector<16x1xi32> to vector<16xi32>
        %gather3A_121 = tpu.dynamic_gather %exp3A[%gather3A] in [0] : vector<16xf32>, vector<16xi32> -> vector<16xf32>
        %mul3A_122 = arith.mulf %get3A_110, %gather3A_121 : vector<16xf32>
        %swap3A = arith.index_cast %scan3A_93 : i32 to index
        %swap3A_123 = arith.constant 0 : index
        %swap3A_124 = tpu.vector_load %arg11[%swap3A, %swap3A_123] {strides = array<i32>} : memref<128x80xf32, #tpu.memory_space<vmem>>, vector<1x16xf32>,
        %swap3A_125 = vector.shape_cast %swap3A_124 : vector<1x16xf32> to vector<16xf32>
        %swap3A_126 = vector.shape_cast %mul3A_122 : vector<16xf32> to vector<1x16xf32>
        tpu.vector_store %arg11[%swap3A, %swap3A_123], %swap3A_126 {strides = array<i32>} : memref<128x80xf32, #tpu.memory_space<vmem>>, vector<1x16xf32>,
        %get3A_127 = arith.index_cast %scan3A_93 : i32 to index
        %get3A_128 = arith.constant 16 : index
        %get3A_129 = tpu.vector_load %arg9[%get3A_127, %get3A_128] {strides = array<i32>} : memref<128x80xf32, #tpu.memory_space<vmem>>, vector<1x16xf32>,
        %get3A_130 = vector.shape_cast %get3A_129 : vector<1x16xf32> to vector<16xf32>
        %add3A_131 = arith.constant 2 : i32
        %add3A_132 = vector.broadcast %add3A_131 : i32 to vector<16xi32>
        %add3A_133 = arith.addi %add3A_132, %shift_right_logical3A_2 : vector<16xi32>
        %lt3A_134 = arith.constant 0 : i32
        %lt3A_135 = vector.broadcast %lt3A_134 : i32 to vector<16xi32>
        %lt3A_136 = arith.cmpi slt, %add3A_133, %lt3A_135 : vector<16xi32>
        %add3A_137 = arith.constant 16 : i32
        %add3A_138 = vector.broadcast %add3A_137 : i32 to vector<16xi32>
        %add3A_139 = arith.addi %add3A_133, %add3A_138 : vector<16xi32>
        %select_n3A_140 = arith.select %lt3A_136, %add3A_139, %add3A_133 : vector<16xi1>, vector<16xi32>
        %broadcast_in_dim3A_141 = vector.shape_cast %select_n3A_140 : vector<16xi32> to vector<16x1xi32>
        %gather3A_142 = vector.shape_cast %broadcast_in_dim3A_141 : vector<16x1xi32> to vector<16xi32>
        %gather3A_143 = tpu.dynamic_gather %exp3A[%gather3A_142] in [0] : vector<16xf32>, vector<16xi32> -> vector<16xf32>
        %mul3A_144 = arith.mulf %get3A_130, %gather3A_143 : vector<16xf32>
        %swap3A_145 = arith.index_cast %scan3A_93 : i32 to index
        %swap3A_146 = arith.constant 16 : index
        %swap3A_147 = tpu.vector_load %arg11[%swap3A_145, %swap3A_146] {strides = array<i32>} : memref<128x80xf32, #tpu.memory_space<vmem>>, vector<1x16xf32>,
        %swap3A_148 = vector.shape_cast %swap3A_147 : vector<1x16xf32> to vector<16xf32>
        %swap3A_149 = vector.shape_cast %mul3A_144 : vector<16xf32> to vector<1x16xf32>
        tpu.vector_store %arg11[%swap3A_145, %swap3A_146], %swap3A_149 {strides = array<i32>} : memref<128x80xf32, #tpu.memory_space<vmem>>, vector<1x16xf32>,
        %get3A_150 = arith.index_cast %scan3A_93 : i32 to index
        %get3A_151 = arith.constant 32 : index
        %get3A_152 = tpu.vector_load %arg9[%get3A_150, %get3A_151] {strides = array<i32>} : memref<128x80xf32, #tpu.memory_space<vmem>>, vector<1x16xf32>,
        %get3A_153 = vector.shape_cast %get3A_152 : vector<1x16xf32> to vector<16xf32>
        %add3A_154 = arith.constant 4 : i32
        %add3A_155 = vector.broadcast %add3A_154 : i32 to vector<16xi32>
        %add3A_156 = arith.addi %add3A_155, %shift_right_logical3A_2 : vector<16xi32>
        %lt3A_157 = arith.constant 0 : i32
        %lt3A_158 = vector.broadcast %lt3A_157 : i32 to vector<16xi32>
        %lt3A_159 = arith.cmpi slt, %add3A_156, %lt3A_158 : vector<16xi32>
        %add3A_160 = arith.constant 16 : i32
        %add3A_161 = vector.broadcast %add3A_160 : i32 to vector<16xi32>
        %add3A_162 = arith.addi %add3A_156, %add3A_161 : vector<16xi32>
        %select_n3A_163 = arith.select %lt3A_159, %add3A_162, %add3A_156 : vector<16xi1>, vector<16xi32>
        %broadcast_in_dim3A_164 = vector.shape_cast %select_n3A_163 : vector<16xi32> to vector<16x1xi32>
        %gather3A_165 = vector.shape_cast %broadcast_in_dim3A_164 : vector<16x1xi32> to vector<16xi32>
        %gather3A_166 = tpu.dynamic_gather %exp3A[%gather3A_165] in [0] : vector<16xf32>, vector<16xi32> -> vector<16xf32>
        %mul3A_167 = arith.mulf %get3A_153, %gather3A_166 : vector<16xf32>
        %swap3A_168 = arith.index_cast %scan3A_93 : i32 to index
        %swap3A_169 = arith.constant 32 : index
        %swap3A_170 = tpu.vector_load %arg11[%swap3A_168, %swap3A_169] {strides = array<i32>} : memref<128x80xf32, #tpu.memory_space<vmem>>, vector<1x16xf32>,
        %swap3A_171 = vector.shape_cast %swap3A_170 : vector<1x16xf32> to vector<16xf32>
        %swap3A_172 = vector.shape_cast %mul3A_167 : vector<16xf32> to vector<1x16xf32>
        tpu.vector_store %arg11[%swap3A_168, %swap3A_169], %swap3A_172 {strides = array<i32>} : memref<128x80xf32, #tpu.memory_space<vmem>>, vector<1x16xf32>,
        %get3A_173 = arith.index_cast %scan3A_93 : i32 to index
        %get3A_174 = arith.constant 48 : index
        %get3A_175 = tpu.vector_load %arg9[%get3A_173, %get3A_174] {strides = array<i32>} : memref<128x80xf32, #tpu.memory_space<vmem>>, vector<1x16xf32>,
        %get3A_176 = vector.shape_cast %get3A_175 : vector<1x16xf32> to vector<16xf32>
        %add3A_177 = arith.constant 6 : i32
        %add3A_178 = vector.broadcast %add3A_177 : i32 to vector<16xi32>
        %add3A_179 = arith.addi %add3A_178, %shift_right_logical3A_2 : vector<16xi32>
        %lt3A_180 = arith.constant 0 : i32
        %lt3A_181 = vector.broadcast %lt3A_180 : i32 to vector<16xi32>
        %lt3A_182 = arith.cmpi slt, %add3A_179, %lt3A_181 : vector<16xi32>
        %add3A_183 = arith.constant 16 : i32
        %add3A_184 = vector.broadcast %add3A_183 : i32 to vector<16xi32>
        %add3A_185 = arith.addi %add3A_179, %add3A_184 : vector<16xi32>
        %select_n3A_186 = arith.select %lt3A_182, %add3A_185, %add3A_179 : vector<16xi1>, vector<16xi32>
        %broadcast_in_dim3A_187 = vector.shape_cast %select_n3A_186 : vector<16xi32> to vector<16x1xi32>
        %gather3A_188 = vector.shape_cast %broadcast_in_dim3A_187 : vector<16x1xi32> to vector<16xi32>
        %gather3A_189 = tpu.dynamic_gather %exp3A[%gather3A_188] in [0] : vector<16xf32>, vector<16xi32> -> vector<16xf32>
        %mul3A_190 = arith.mulf %get3A_176, %gather3A_189 : vector<16xf32>
        %swap3A_191 = arith.index_cast %scan3A_93 : i32 to index
        %swap3A_192 = arith.constant 48 : index
        %swap3A_193 = tpu.vector_load %arg11[%swap3A_191, %swap3A_192] {strides = array<i32>} : memref<128x80xf32, #tpu.memory_space<vmem>>, vector<1x16xf32>,
        %swap3A_194 = vector.shape_cast %swap3A_193 : vector<1x16xf32> to vector<16xf32>
        %swap3A_195 = vector.shape_cast %mul3A_190 : vector<16xf32> to vector<1x16xf32>
        tpu.vector_store %arg11[%swap3A_191, %swap3A_192], %swap3A_195 {strides = array<i32>} : memref<128x80xf32, #tpu.memory_space<vmem>>, vector<1x16xf32>,
        %lt3A_196 = arith.constant 8 : i32
        %lt3A_197 = vector.broadcast %lt3A_196 : i32 to vector<16xi32>
        %lt3A_198 = arith.cmpi slt, %iota3A, %lt3A_197 : vector<16xi32>
        %jit3A = arith.constant 0.000000e+00 : f32
        %broadcast_in_dim3A_199 = vector.broadcast %jit3A : f32 to vector<16xf32>
        %select_n3A_200 = arith.select %lt3A_198, %exp3A, %broadcast_in_dim3A_199 : vector<16xi1>, vector<16xf32>
        %swap3A_201 = arith.index_cast %scan3A_93 : i32 to index
        %swap3A_202 = arith.constant 64 : index
        %swap3A_203 = tpu.vector_load %arg11[%swap3A_201, %swap3A_202] {strides = array<i32>} : memref<128x80xf32, #tpu.memory_space<vmem>>, vector<1x16xf32>,
        %swap3A_204 = vector.shape_cast %swap3A_203 : vector<1x16xf32> to vector<16xf32>
        %swap3A_205 = vector.shape_cast %select_n3A_200 : vector<16xf32> to vector<1x16xf32>
        tpu.vector_store %arg11[%swap3A_201, %swap3A_202], %swap3A_205 {strides = array<i32>} : memref<128x80xf32, #tpu.memory_space<vmem>>, vector<1x16xf32>,
      }
      %scan3A_92 = arith.constant 128 : i32
      "tpu.region"() ({
        %run_scoped3A = tpu.sem_alloc : memref<!tpu.dma_semaphore, #tpu.memory_space<semaphore_mem>>
        %dma_start3A_93 = arith.constant 0 : i32
        %dma_start3A_94 = arith.constant 0 : i32
        %dma_start3A_95 = tpu.memref_slice %arg13[%dma_start3A_93, %dma_start3A_94] : memref<10240x80xf32, #tpu.memory_space<vmem_shared>> -> memref<10240x80xf32, #tpu.memory_space<vmem_shared>>
        tpu.enqueue_indirect_dma source(%arg11 : memref<128x80xf32, #tpu.memory_space<vmem>>) target(%dma_start3A_95 : memref<10240x80xf32, #tpu.memory_space<vmem_shared>>) offsets(%arg8 : memref<128xi32, #tpu.memory_space<vmem>>) semaphore(%run_scoped3A : memref<!tpu.dma_semaphore, #tpu.memory_space<semaphore_mem>>) {add = true}
        %dma_wait3A_96 = arith.constant 0 : i32
        %dma_wait3A_97 = arith.constant 0 : i32
        %dma_wait3A_98 = tpu.memref_slice %arg13[%dma_wait3A_96, %dma_wait3A_97] : memref<10240x80xf32, #tpu.memory_space<vmem_shared>> -> memref<10240x80xf32, #tpu.memory_space<vmem_shared>>
        tpu.wait_indirect_dma semaphore(%run_scoped3A : memref<!tpu.dma_semaphore, #tpu.memory_space<semaphore_mem>>) src(%arg11 : memref<128x80xf32, #tpu.memory_space<vmem>>) dst(%dma_wait3A_98 : memref<10240x80xf32, #tpu.memory_space<vmem_shared>>)
        tpu.yield
      }) : () -> ()
    }
    %scan3A_34 = arith.constant 79 : i32
    %barrier3A_35 = arith.constant 0 : index
    tpu.barrier barrier_id(%barrier3A_35)
    %mul3A_36 = arith.constant 640 : i32
    %mul3A_37 = arith.muli %arg1, %mul3A_36 : i32
    %add3A_38 = arith.constant 0 : i32
    %add3A_39 = arith.addi %mul3A_37, %add3A_38 : i32
    "tpu.region"() ({
      %run_scoped3A = tpu.sem_alloc : memref<!tpu.dma_semaphore, #tpu.memory_space<semaphore_mem>>
      %dma_start3A = arith.constant 0 : i32
      %dma_start3A_71 = tpu.memref_slice %arg13[%add3A_39, %dma_start3A] : memref<10240x80xf32, #tpu.memory_space<vmem_shared>> -> memref<128x80xf32, #tpu.memory_space<vmem_shared>>
      %dma_start3A_72 = arith.constant 0 : i32
      %dma_start3A_73 = tpu.memref_slice %arg13[%add3A_39, %dma_start3A_72] : memref<10240x80xf32, #tpu.memory_space<vmem_shared>> -> memref<128x80xf32, #tpu.memory_space<vmem_shared>>
      tpu.enqueue_dma source(%dma_start3A_73 : memref<128x80xf32, #tpu.memory_space<vmem_shared>>) target(%arg12 : memref<128x80xf32, #tpu.memory_space<vmem>>) target_semaphore(%run_scoped3A : memref<!tpu.dma_semaphore, #tpu.memory_space<semaphore_mem>>)
      %dma_wait3A = arith.constant 0 : i32
      %dma_wait3A_74 = tpu.memref_slice %arg13[%add3A_39, %dma_wait3A] : memref<10240x80xf32, #tpu.memory_space<vmem_shared>> -> memref<128x80xf32, #tpu.memory_space<vmem_shared>>
      %dma_wait3A_75 = arith.constant 0 : i32
      %dma_wait3A_76 = tpu.memref_slice %arg13[%add3A_39, %dma_wait3A_75] : memref<10240x80xf32, #tpu.memory_space<vmem_shared>> -> memref<128x80xf32, #tpu.memory_space<vmem_shared>>
      tpu.wait_dma2 semaphore(%run_scoped3A : memref<!tpu.dma_semaphore, #tpu.memory_space<semaphore_mem>>) src(%dma_wait3A_76 : memref<128x80xf32, #tpu.memory_space<vmem_shared>>) dst(%arg12 : memref<128x80xf32, #tpu.memory_space<vmem>>)
      tpu.yield
    }) : () -> ()
    %mul3A_40 = arith.constant 10240 : i32
    %mul3A_41 = arith.muli %arg0, %mul3A_40 : i32
    %add3A_42 = arith.addi %mul3A_41, %add3A_39 : i32
    "tpu.region"() ({
      %run_scoped3A = tpu.sem_alloc : memref<!tpu.dma_semaphore, #tpu.memory_space<semaphore_mem>>
      %dma_start3A = arith.constant 0 : i32
      %dma_start3A_71 = tpu.memref_slice %arg6[%add3A_42, %dma_start3A] : memref<20480x80xf32, #tpu.memory_space<hbm>> -> memref<128x80xf32, #tpu.memory_space<hbm>>
      %dma_start3A_72 = arith.constant 0 : i32
      %dma_start3A_73 = tpu.memref_slice %arg6[%add3A_42, %dma_start3A_72] : memref<20480x80xf32, #tpu.memory_space<hbm>> -> memref<128x80xf32, #tpu.memory_space<hbm>>
      tpu.enqueue_dma source(%arg12 : memref<128x80xf32, #tpu.memory_space<vmem>>) target(%dma_start3A_73 : memref<128x80xf32, #tpu.memory_space<hbm>>) target_semaphore(%run_scoped3A : memref<!tpu.dma_semaphore, #tpu.memory_space<semaphore_mem>>)
      %dma_wait3A = arith.constant 0 : i32
      %dma_wait3A_74 = tpu.memref_slice %arg6[%add3A_42, %dma_wait3A] : memref<20480x80xf32, #tpu.memory_space<hbm>> -> memref<128x80xf32, #tpu.memory_space<hbm>>
      %dma_wait3A_75 = arith.constant 0 : i32
      %dma_wait3A_76 = tpu.memref_slice %arg6[%add3A_42, %dma_wait3A_75] : memref<20480x80xf32, #tpu.memory_space<hbm>> -> memref<128x80xf32, #tpu.memory_space<hbm>>
      tpu.wait_dma2 semaphore(%run_scoped3A : memref<!tpu.dma_semaphore, #tpu.memory_space<semaphore_mem>>) src(%arg12 : memref<128x80xf32, #tpu.memory_space<vmem>>) dst(%dma_wait3A_76 : memref<128x80xf32, #tpu.memory_space<hbm>>)
      tpu.yield
    }) : () -> ()
    %mul3A_43 = arith.constant 640 : i32
    %mul3A_44 = arith.muli %arg1, %mul3A_43 : i32
    %add3A_45 = arith.constant 128 : i32
    %add3A_46 = arith.addi %mul3A_44, %add3A_45 : i32
    "tpu.region"() ({
      %run_scoped3A = tpu.sem_alloc : memref<!tpu.dma_semaphore, #tpu.memory_space<semaphore_mem>>
      %dma_start3A = arith.constant 0 : i32
      %dma_start3A_71 = tpu.memref_slice %arg13[%add3A_46, %dma_start3A] : memref<10240x80xf32, #tpu.memory_space<vmem_shared>> -> memref<128x80xf32, #tpu.memory_space<vmem_shared>>
      %dma_start3A_72 = arith.constant 0 : i32
      %dma_start3A_73 = tpu.memref_slice %arg13[%add3A_46, %dma_start3A_72] : memref<10240x80xf32, #tpu.memory_space<vmem_shared>> -> memref<128x80xf32, #tpu.memory_space<vmem_shared>>
      tpu.enqueue_dma source(%dma_start3A_73 : memref<128x80xf32, #tpu.memory_space<vmem_shared>>) target(%arg12 : memref<128x80xf32, #tpu.memory_space<vmem>>) target_semaphore(%run_scoped3A : memref<!tpu.dma_semaphore, #tpu.memory_space<semaphore_mem>>)
      %dma_wait3A = arith.constant 0 : i32
      %dma_wait3A_74 = tpu.memref_slice %arg13[%add3A_46, %dma_wait3A] : memref<10240x80xf32, #tpu.memory_space<vmem_shared>> -> memref<128x80xf32, #tpu.memory_space<vmem_shared>>
      %dma_wait3A_75 = arith.constant 0 : i32
      %dma_wait3A_76 = tpu.memref_slice %arg13[%add3A_46, %dma_wait3A_75] : memref<10240x80xf32, #tpu.memory_space<vmem_shared>> -> memref<128x80xf32, #tpu.memory_space<vmem_shared>>
      tpu.wait_dma2 semaphore(%run_scoped3A : memref<!tpu.dma_semaphore, #tpu.memory_space<semaphore_mem>>) src(%dma_wait3A_76 : memref<128x80xf32, #tpu.memory_space<vmem_shared>>) dst(%arg12 : memref<128x80xf32, #tpu.memory_space<vmem>>)
      tpu.yield
    }) : () -> ()
    %mul3A_47 = arith.constant 10240 : i32
    %mul3A_48 = arith.muli %arg0, %mul3A_47 : i32
    %add3A_49 = arith.addi %mul3A_48, %add3A_46 : i32
    "tpu.region"() ({
      %run_scoped3A = tpu.sem_alloc : memref<!tpu.dma_semaphore, #tpu.memory_space<semaphore_mem>>
      %dma_start3A = arith.constant 0 : i32
      %dma_start3A_71 = tpu.memref_slice %arg6[%add3A_49, %dma_start3A] : memref<20480x80xf32, #tpu.memory_space<hbm>> -> memref<128x80xf32, #tpu.memory_space<hbm>>
      %dma_start3A_72 = arith.constant 0 : i32
      %dma_start3A_73 = tpu.memref_slice %arg6[%add3A_49, %dma_start3A_72] : memref<20480x80xf32, #tpu.memory_space<hbm>> -> memref<128x80xf32, #tpu.memory_space<hbm>>
      tpu.enqueue_dma source(%arg12 : memref<128x80xf32, #tpu.memory_space<vmem>>) target(%dma_start3A_73 : memref<128x80xf32, #tpu.memory_space<hbm>>) target_semaphore(%run_scoped3A : memref<!tpu.dma_semaphore, #tpu.memory_space<semaphore_mem>>)
      %dma_wait3A = arith.constant 0 : i32
      %dma_wait3A_74 = tpu.memref_slice %arg6[%add3A_49, %dma_wait3A] : memref<20480x80xf32, #tpu.memory_space<hbm>> -> memref<128x80xf32, #tpu.memory_space<hbm>>
      %dma_wait3A_75 = arith.constant 0 : i32
      %dma_wait3A_76 = tpu.memref_slice %arg6[%add3A_49, %dma_wait3A_75] : memref<20480x80xf32, #tpu.memory_space<hbm>> -> memref<128x80xf32, #tpu.memory_space<hbm>>
      tpu.wait_dma2 semaphore(%run_scoped3A : memref<!tpu.dma_semaphore, #tpu.memory_space<semaphore_mem>>) src(%arg12 : memref<128x80xf32, #tpu.memory_space<vmem>>) dst(%dma_wait3A_76 : memref<128x80xf32, #tpu.memory_space<hbm>>)
      tpu.yield
    }) : () -> ()
    %mul3A_50 = arith.constant 640 : i32
    %mul3A_51 = arith.muli %arg1, %mul3A_50 : i32
    %add3A_52 = arith.constant 256 : i32
    %add3A_53 = arith.addi %mul3A_51, %add3A_52 : i32
    "tpu.region"() ({
      %run_scoped3A = tpu.sem_alloc : memref<!tpu.dma_semaphore, #tpu.memory_space<semaphore_mem>>
      %dma_start3A = arith.constant 0 : i32
      %dma_start3A_71 = tpu.memref_slice %arg13[%add3A_53, %dma_start3A] : memref<10240x80xf32, #tpu.memory_space<vmem_shared>> -> memref<128x80xf32, #tpu.memory_space<vmem_shared>>
      %dma_start3A_72 = arith.constant 0 : i32
      %dma_start3A_73 = tpu.memref_slice %arg13[%add3A_53, %dma_start3A_72] : memref<10240x80xf32, #tpu.memory_space<vmem_shared>> -> memref<128x80xf32, #tpu.memory_space<vmem_shared>>
      tpu.enqueue_dma source(%dma_start3A_73 : memref<128x80xf32, #tpu.memory_space<vmem_shared>>) target(%arg12 : memref<128x80xf32, #tpu.memory_space<vmem>>) target_semaphore(%run_scoped3A : memref<!tpu.dma_semaphore, #tpu.memory_space<semaphore_mem>>)
      %dma_wait3A = arith.constant 0 : i32
      %dma_wait3A_74 = tpu.memref_slice %arg13[%add3A_53, %dma_wait3A] : memref<10240x80xf32, #tpu.memory_space<vmem_shared>> -> memref<128x80xf32, #tpu.memory_space<vmem_shared>>
      %dma_wait3A_75 = arith.constant 0 : i32
      %dma_wait3A_76 = tpu.memref_slice %arg13[%add3A_53, %dma_wait3A_75] : memref<10240x80xf32, #tpu.memory_space<vmem_shared>> -> memref<128x80xf32, #tpu.memory_space<vmem_shared>>
      tpu.wait_dma2 semaphore(%run_scoped3A : memref<!tpu.dma_semaphore, #tpu.memory_space<semaphore_mem>>) src(%dma_wait3A_76 : memref<128x80xf32, #tpu.memory_space<vmem_shared>>) dst(%arg12 : memref<128x80xf32, #tpu.memory_space<vmem>>)
      tpu.yield
    }) : () -> ()
    %mul3A_54 = arith.constant 10240 : i32
    %mul3A_55 = arith.muli %arg0, %mul3A_54 : i32
    %add3A_56 = arith.addi %mul3A_55, %add3A_53 : i32
    "tpu.region"() ({
      %run_scoped3A = tpu.sem_alloc : memref<!tpu.dma_semaphore, #tpu.memory_space<semaphore_mem>>
      %dma_start3A = arith.constant 0 : i32
      %dma_start3A_71 = tpu.memref_slice %arg6[%add3A_56, %dma_start3A] : memref<20480x80xf32, #tpu.memory_space<hbm>> -> memref<128x80xf32, #tpu.memory_space<hbm>>
      %dma_start3A_72 = arith.constant 0 : i32
      %dma_start3A_73 = tpu.memref_slice %arg6[%add3A_56, %dma_start3A_72] : memref<20480x80xf32, #tpu.memory_space<hbm>> -> memref<128x80xf32, #tpu.memory_space<hbm>>
      tpu.enqueue_dma source(%arg12 : memref<128x80xf32, #tpu.memory_space<vmem>>) target(%dma_start3A_73 : memref<128x80xf32, #tpu.memory_space<hbm>>) target_semaphore(%run_scoped3A : memref<!tpu.dma_semaphore, #tpu.memory_space<semaphore_mem>>)
      %dma_wait3A = arith.constant 0 : i32
      %dma_wait3A_74 = tpu.memref_slice %arg6[%add3A_56, %dma_wait3A] : memref<20480x80xf32, #tpu.memory_space<hbm>> -> memref<128x80xf32, #tpu.memory_space<hbm>>
      %dma_wait3A_75 = arith.constant 0 : i32
      %dma_wait3A_76 = tpu.memref_slice %arg6[%add3A_56, %dma_wait3A_75] : memref<20480x80xf32, #tpu.memory_space<hbm>> -> memref<128x80xf32, #tpu.memory_space<hbm>>
      tpu.wait_dma2 semaphore(%run_scoped3A : memref<!tpu.dma_semaphore, #tpu.memory_space<semaphore_mem>>) src(%arg12 : memref<128x80xf32, #tpu.memory_space<vmem>>) dst(%dma_wait3A_76 : memref<128x80xf32, #tpu.memory_space<hbm>>)
      tpu.yield
    }) : () -> ()
    %mul3A_57 = arith.constant 640 : i32
    %mul3A_58 = arith.muli %arg1, %mul3A_57 : i32
    %add3A_59 = arith.constant 384 : i32
    %add3A_60 = arith.addi %mul3A_58, %add3A_59 : i32
    "tpu.region"() ({
      %run_scoped3A = tpu.sem_alloc : memref<!tpu.dma_semaphore, #tpu.memory_space<semaphore_mem>>
      %dma_start3A = arith.constant 0 : i32
      %dma_start3A_71 = tpu.memref_slice %arg13[%add3A_60, %dma_start3A] : memref<10240x80xf32, #tpu.memory_space<vmem_shared>> -> memref<128x80xf32, #tpu.memory_space<vmem_shared>>
      %dma_start3A_72 = arith.constant 0 : i32
      %dma_start3A_73 = tpu.memref_slice %arg13[%add3A_60, %dma_start3A_72] : memref<10240x80xf32, #tpu.memory_space<vmem_shared>> -> memref<128x80xf32, #tpu.memory_space<vmem_shared>>
      tpu.enqueue_dma source(%dma_start3A_73 : memref<128x80xf32, #tpu.memory_space<vmem_shared>>) target(%arg12 : memref<128x80xf32, #tpu.memory_space<vmem>>) target_semaphore(%run_scoped3A : memref<!tpu.dma_semaphore, #tpu.memory_space<semaphore_mem>>)
      %dma_wait3A = arith.constant 0 : i32
      %dma_wait3A_74 = tpu.memref_slice %arg13[%add3A_60, %dma_wait3A] : memref<10240x80xf32, #tpu.memory_space<vmem_shared>> -> memref<128x80xf32, #tpu.memory_space<vmem_shared>>
      %dma_wait3A_75 = arith.constant 0 : i32
      %dma_wait3A_76 = tpu.memref_slice %arg13[%add3A_60, %dma_wait3A_75] : memref<10240x80xf32, #tpu.memory_space<vmem_shared>> -> memref<128x80xf32, #tpu.memory_space<vmem_shared>>
      tpu.wait_dma2 semaphore(%run_scoped3A : memref<!tpu.dma_semaphore, #tpu.memory_space<semaphore_mem>>) src(%dma_wait3A_76 : memref<128x80xf32, #tpu.memory_space<vmem_shared>>) dst(%arg12 : memref<128x80xf32, #tpu.memory_space<vmem>>)
      tpu.yield
    }) : () -> ()
    %mul3A_61 = arith.constant 10240 : i32
    %mul3A_62 = arith.muli %arg0, %mul3A_61 : i32
    %add3A_63 = arith.addi %mul3A_62, %add3A_60 : i32
    "tpu.region"() ({
      %run_scoped3A = tpu.sem_alloc : memref<!tpu.dma_semaphore, #tpu.memory_space<semaphore_mem>>
      %dma_start3A = arith.constant 0 : i32
      %dma_start3A_71 = tpu.memref_slice %arg6[%add3A_63, %dma_start3A] : memref<20480x80xf32, #tpu.memory_space<hbm>> -> memref<128x80xf32, #tpu.memory_space<hbm>>
      %dma_start3A_72 = arith.constant 0 : i32
      %dma_start3A_73 = tpu.memref_slice %arg6[%add3A_63, %dma_start3A_72] : memref<20480x80xf32, #tpu.memory_space<hbm>> -> memref<128x80xf32, #tpu.memory_space<hbm>>
      tpu.enqueue_dma source(%arg12 : memref<128x80xf32, #tpu.memory_space<vmem>>) target(%dma_start3A_73 : memref<128x80xf32, #tpu.memory_space<hbm>>) target_semaphore(%run_scoped3A : memref<!tpu.dma_semaphore, #tpu.memory_space<semaphore_mem>>)
      %dma_wait3A = arith.constant 0 : i32
      %dma_wait3A_74 = tpu.memref_slice %arg6[%add3A_63, %dma_wait3A] : memref<20480x80xf32, #tpu.memory_space<hbm>> -> memref<128x80xf32, #tpu.memory_space<hbm>>
      %dma_wait3A_75 = arith.constant 0 : i32
      %dma_wait3A_76 = tpu.memref_slice %arg6[%add3A_63, %dma_wait3A_75] : memref<20480x80xf32, #tpu.memory_space<hbm>> -> memref<128x80xf32, #tpu.memory_space<hbm>>
      tpu.wait_dma2 semaphore(%run_scoped3A : memref<!tpu.dma_semaphore, #tpu.memory_space<semaphore_mem>>) src(%arg12 : memref<128x80xf32, #tpu.memory_space<vmem>>) dst(%dma_wait3A_76 : memref<128x80xf32, #tpu.memory_space<hbm>>)
      tpu.yield
    }) : () -> ()
    %mul3A_64 = arith.constant 640 : i32
    %mul3A_65 = arith.muli %arg1, %mul3A_64 : i32
    %add3A_66 = arith.constant 512 : i32
    %add3A_67 = arith.addi %mul3A_65, %add3A_66 : i32
    "tpu.region"() ({
      %run_scoped3A = tpu.sem_alloc : memref<!tpu.dma_semaphore, #tpu.memory_space<semaphore_mem>>
      %dma_start3A = arith.constant 0 : i32
      %dma_start3A_71 = tpu.memref_slice %arg13[%add3A_67, %dma_start3A] : memref<10240x80xf32, #tpu.memory_space<vmem_shared>> -> memref<128x80xf32, #tpu.memory_space<vmem_shared>>
      %dma_start3A_72 = arith.constant 0 : i32
      %dma_start3A_73 = tpu.memref_slice %arg13[%add3A_67, %dma_start3A_72] : memref<10240x80xf32, #tpu.memory_space<vmem_shared>> -> memref<128x80xf32, #tpu.memory_space<vmem_shared>>
      tpu.enqueue_dma source(%dma_start3A_73 : memref<128x80xf32, #tpu.memory_space<vmem_shared>>) target(%arg12 : memref<128x80xf32, #tpu.memory_space<vmem>>) target_semaphore(%run_scoped3A : memref<!tpu.dma_semaphore, #tpu.memory_space<semaphore_mem>>)
      %dma_wait3A = arith.constant 0 : i32
      %dma_wait3A_74 = tpu.memref_slice %arg13[%add3A_67, %dma_wait3A] : memref<10240x80xf32, #tpu.memory_space<vmem_shared>> -> memref<128x80xf32, #tpu.memory_space<vmem_shared>>
      %dma_wait3A_75 = arith.constant 0 : i32
      %dma_wait3A_76 = tpu.memref_slice %arg13[%add3A_67, %dma_wait3A_75] : memref<10240x80xf32, #tpu.memory_space<vmem_shared>> -> memref<128x80xf32, #tpu.memory_space<vmem_shared>>
      tpu.wait_dma2 semaphore(%run_scoped3A : memref<!tpu.dma_semaphore, #tpu.memory_space<semaphore_mem>>) src(%dma_wait3A_76 : memref<128x80xf32, #tpu.memory_space<vmem_shared>>) dst(%arg12 : memref<128x80xf32, #tpu.memory_space<vmem>>)
      tpu.yield
    }) : () -> ()
    %mul3A_68 = arith.constant 10240 : i32
    %mul3A_69 = arith.muli %arg0, %mul3A_68 : i32
    %add3A_70 = arith.addi %mul3A_69, %add3A_67 : i32
    "tpu.region"() ({
      %run_scoped3A = tpu.sem_alloc : memref<!tpu.dma_semaphore, #tpu.memory_space<semaphore_mem>>
      %dma_start3A = arith.constant 0 : i32
      %dma_start3A_71 = tpu.memref_slice %arg6[%add3A_70, %dma_start3A] : memref<20480x80xf32, #tpu.memory_space<hbm>> -> memref<128x80xf32, #tpu.memory_space<hbm>>
      %dma_start3A_72 = arith.constant 0 : i32
      %dma_start3A_73 = tpu.memref_slice %arg6[%add3A_70, %dma_start3A_72] : memref<20480x80xf32, #tpu.memory_space<hbm>> -> memref<128x80xf32, #tpu.memory_space<hbm>>
      tpu.enqueue_dma source(%arg12 : memref<128x80xf32, #tpu.memory_space<vmem>>) target(%dma_start3A_73 : memref<128x80xf32, #tpu.memory_space<hbm>>) target_semaphore(%run_scoped3A : memref<!tpu.dma_semaphore, #tpu.memory_space<semaphore_mem>>)
      %dma_wait3A = arith.constant 0 : i32
      %dma_wait3A_74 = tpu.memref_slice %arg6[%add3A_70, %dma_wait3A] : memref<20480x80xf32, #tpu.memory_space<hbm>> -> memref<128x80xf32, #tpu.memory_space<hbm>>
      %dma_wait3A_75 = arith.constant 0 : i32
      %dma_wait3A_76 = tpu.memref_slice %arg6[%add3A_70, %dma_wait3A_75] : memref<20480x80xf32, #tpu.memory_space<hbm>> -> memref<128x80xf32, #tpu.memory_space<hbm>>
      tpu.wait_dma2 semaphore(%run_scoped3A : memref<!tpu.dma_semaphore, #tpu.memory_space<semaphore_mem>>) src(%arg12 : memref<128x80xf32, #tpu.memory_space<vmem>>) dst(%dma_wait3A_76 : memref<128x80xf32, #tpu.memory_space<hbm>>)
      tpu.yield
    }) : () -> ()
    return
  }
}

module attributes {stable_mosaic.version = 14 : i64} {
  func.func @_tc1_body(%arg0: i32, %arg1: memref<256x128xf32, #tpu.memory_space<vmem>>, %arg2: memref<128x64xf32, #tpu.memory_space<vmem>>, %arg3: memref<64x8xf32, #tpu.memory_space<vmem>>, %arg4: memref<64x8xf32, #tpu.memory_space<vmem>>, %arg5: memref<256x80xf32, #tpu.memory_space<vmem>>, %arg6: memref<256x16xf32, #tpu.memory_space<vmem>>) attributes {dimension_semantics = [#tpu.dimension_semantics<arbitrary>], iteration_bounds = array<i64: 40>, scalar_prefetch = 0 : i64, scratch_operands = 0 : i64, tpu.core_type = #tpu.core_type<tc>, window_params = [{transform_indices = @transform_0, window_bounds = array<i64: 256, 128>}, {pipeline_mode = #tpu.pipeline_mode<synchronous>, transform_indices = @transform_1, window_bounds = array<i64: 128, 64>}, {pipeline_mode = #tpu.pipeline_mode<synchronous>, transform_indices = @transform_2, window_bounds = array<i64: 64, 8>}, {pipeline_mode = #tpu.pipeline_mode<synchronous>, transform_indices = @transform_3, window_bounds = array<i64: 64, 8>}, {transform_indices = @transform_4, window_bounds = array<i64: 256, 80>}, {transform_indices = @transform_5, window_bounds = array<i64: 256, 16>}]} {
    %get3A = arith.constant 0 : index
    %get3A_0 = arith.constant 0 : index
    %get3A_1 = vector.load %arg1[%get3A, %get3A_0] : memref<256x128xf32, #tpu.memory_space<vmem>>, vector<256x128xf32>
    %get3A_2 = arith.constant 0 : index
    %get3A_3 = arith.constant 0 : index
    %get3A_4 = vector.load %arg2[%get3A_2, %get3A_3] : memref<128x64xf32, #tpu.memory_space<vmem>>, vector<128x64xf32>
    %dot_general3A = arith.constant dense<0.000000e+00> : vector<256x64xf32>
    %dot_general3A_5 = tpu.matmul %get3A_1, %get3A_4, %dot_general3A {dimension_numbers = #tpu.dot_dimension_numbers<[1], [0], [0], [1], [0, 0, 1, 1], [], []>, transpose_lhs_hint = false} : vector<256x128xf32>, vector<128x64xf32>, vector<256x64xf32> -> vector<256x64xf32>
    %get3A_6 = arith.constant 0 : index
    %get3A_7 = arith.constant 0 : index
    %get3A_8 = vector.load %arg3[%get3A_6, %get3A_7] : memref<64x8xf32, #tpu.memory_space<vmem>>, vector<64x8xf32>
    %dot_general3A_9 = arith.constant dense<0.000000e+00> : vector<256x8xf32>
    %dot_general3A_10 = tpu.matmul %dot_general3A_5, %get3A_8, %dot_general3A_9 {dimension_numbers = #tpu.dot_dimension_numbers<[1], [0], [0], [1], [0, 0, 1, 1], [], []>, transpose_lhs_hint = false} : vector<256x64xf32>, vector<64x8xf32>, vector<256x8xf32> -> vector<256x8xf32>
    %get3A_11 = arith.constant 0 : index
    %get3A_12 = arith.constant 0 : index
    %get3A_13 = vector.load %arg4[%get3A_11, %get3A_12] : memref<64x8xf32, #tpu.memory_space<vmem>>, vector<64x8xf32>
    %dot_general3A_14 = arith.constant dense<0.000000e+00> : vector<256x8xf32>
    %dot_general3A_15 = tpu.matmul %dot_general3A_5, %get3A_13, %dot_general3A_14 {dimension_numbers = #tpu.dot_dimension_numbers<[1], [0], [0], [1], [0, 0, 1, 1], [], []>, transpose_lhs_hint = false} : vector<256x64xf32>, vector<64x8xf32>, vector<256x8xf32> -> vector<256x8xf32>
    %broadcast_in_dim3A = arith.constant 0.000000e+00 : f32
    %broadcast_in_dim3A_16 = vector.broadcast %broadcast_in_dim3A : f32 to vector<256x8xf32>
    %concatenate3A = tpu.concatenate %dot_general3A_5, %dot_general3A_10, %broadcast_in_dim3A_16 in 1 : vector<256x64xf32>, vector<256x8xf32>, vector<256x8xf32> -> vector<256x80xf32>
    %swap3A = arith.constant 0 : index
    %swap3A_17 = arith.constant 0 : index
    %swap3A_18 = vector.load %arg5[%swap3A, %swap3A_17] : memref<256x80xf32, #tpu.memory_space<vmem>>, vector<256x80xf32>
    tpu.vector_store %arg5[%swap3A, %swap3A_17], %concatenate3A {strides = array<i32>} : memref<256x80xf32, #tpu.memory_space<vmem>>, vector<256x80xf32>,
    %concatenate3A_19 = tpu.concatenate %dot_general3A_15, %broadcast_in_dim3A_16 in 1 : vector<256x8xf32>, vector<256x8xf32> -> vector<256x16xf32>
    %swap3A_20 = arith.constant 0 : index
    %swap3A_21 = arith.constant 0 : index
    %swap3A_22 = vector.load %arg6[%swap3A_20, %swap3A_21] : memref<256x16xf32, #tpu.memory_space<vmem>>, vector<256x16xf32>
    tpu.vector_store %arg6[%swap3A_20, %swap3A_21], %concatenate3A_19 {strides = array<i32>} : memref<256x16xf32, #tpu.memory_space<vmem>>, vector<256x16xf32>,
    return
  }
  func.func @transform_0(%arg0: i32) -> (i32, i32) {
    %c0_i32 = arith.constant 0 : i32
    %c0_i32_0 = arith.constant 0 : i32
    return %arg0, %c0_i32 : i32, i32
  }
  func.func @transform_1(%arg0: i32) -> (i32, i32) {
    %c0_i32 = arith.constant 0 : i32
    %c0_i32_0 = arith.constant 0 : i32
    %c0_i32_1 = arith.constant 0 : i32
    return %c0_i32, %c0_i32_0 : i32, i32
  }
  func.func @transform_2(%arg0: i32) -> (i32, i32) {
    %c0_i32 = arith.constant 0 : i32
    %c0_i32_0 = arith.constant 0 : i32
    %c0_i32_1 = arith.constant 0 : i32
    return %c0_i32, %c0_i32_0 : i32, i32
  }
  func.func @transform_3(%arg0: i32) -> (i32, i32) {
    %c0_i32 = arith.constant 0 : i32
    %c0_i32_0 = arith.constant 0 : i32
    %c0_i32_1 = arith.constant 0 : i32
    return %c0_i32, %c0_i32_0 : i32, i32
  }
  func.func @transform_4(%arg0: i32) -> (i32, i32) {
    %c0_i32 = arith.constant 0 : i32
    %c0_i32_0 = arith.constant 0 : i32
    return %arg0, %c0_i32 : i32, i32
  }
  func.func @transform_5(%arg0: i32) -> (i32, i32) {
    %c0_i32 = arith.constant 0 : i32
    %c0_i32_0 = arith.constant 0 : i32
    return %arg0, %c0_i32 : i32, i32
  }
}

module attributes {stable_mosaic.version = 14 : i64} {
  func.func @_tc2_body(%arg0: i32, %arg1: memref<2x256x80xf32, #tpu.memory_space<vmem>>, %arg2: memref<1x64xf32, #tpu.memory_space<vmem>>, %arg3: memref<64x64xf32, #tpu.memory_space<vmem>>, %arg4: memref<64x8xf32, #tpu.memory_space<vmem>>, %arg5: memref<64x8xf32, #tpu.memory_space<vmem>>, %arg6: memref<8x64xf32, #tpu.memory_space<vmem>>, %arg7: memref<256x80xf32, #tpu.memory_space<vmem>>, %arg8: memref<256x16xf32, #tpu.memory_space<vmem>>) attributes {dimension_semantics = [#tpu.dimension_semantics<arbitrary>], iteration_bounds = array<i64: 40>, scalar_prefetch = 0 : i64, scratch_operands = 0 : i64, tpu.core_type = #tpu.core_type<tc>, window_params = [{transform_indices = @transform_0, window_bounds = array<i64: 2, 256, 80>}, {pipeline_mode = #tpu.pipeline_mode<synchronous>, transform_indices = @transform_1, window_bounds = array<i64: 1, 64>}, {pipeline_mode = #tpu.pipeline_mode<synchronous>, transform_indices = @transform_2, window_bounds = array<i64: 64, 64>}, {pipeline_mode = #tpu.pipeline_mode<synchronous>, transform_indices = @transform_3, window_bounds = array<i64: 64, 8>}, {pipeline_mode = #tpu.pipeline_mode<synchronous>, transform_indices = @transform_4, window_bounds = array<i64: 64, 8>}, {pipeline_mode = #tpu.pipeline_mode<synchronous>, transform_indices = @transform_5, window_bounds = array<i64: 8, 64>}, {transform_indices = @transform_6, window_bounds = array<i64: 256, 80>}, {transform_indices = @transform_7, window_bounds = array<i64: 256, 16>}]} {
    %get3A = arith.constant 0 : index
    %get3A_0 = arith.constant 0 : index
    %get3A_1 = arith.constant 0 : index
    %get3A_2 = vector.load %arg1[%get3A, %get3A_0, %get3A_1] : memref<2x256x80xf32, #tpu.memory_space<vmem>>, vector<1x256x80xf32>
    %get3A_3 = vector.shape_cast %get3A_2 : vector<1x256x80xf32> to vector<256x80xf32>
    %get3A_4 = arith.constant 1 : index
    %get3A_5 = arith.constant 0 : index
    %get3A_6 = arith.constant 0 : index
    %get3A_7 = vector.load %arg1[%get3A_4, %get3A_5, %get3A_6] : memref<2x256x80xf32, #tpu.memory_space<vmem>>, vector<1x256x80xf32>
    %get3A_8 = vector.shape_cast %get3A_7 : vector<1x256x80xf32> to vector<256x80xf32>
    %add3A = arith.addf %get3A_3, %get3A_8 : vector<256x80xf32>
    %slice3A = vector.extract_strided_slice %add3A {offsets = [0, 0], sizes = [256, 64], strides = [1, 1]} : vector<256x80xf32> to vector<256x64xf32>
    %slice3A_9 = vector.extract_strided_slice %add3A {offsets = [0, 64], sizes = [256, 8], strides = [1, 1]} : vector<256x80xf32> to vector<256x8xf32>
    %get3A_10 = arith.constant 0 : index
    %get3A_11 = arith.constant 0 : index
    %get3A_12 = vector.load %arg6[%get3A_10, %get3A_11] : memref<8x64xf32, #tpu.memory_space<vmem>>, vector<8x64xf32>
    %dot_general3A = arith.constant dense<0.000000e+00> : vector<256x64xf32>
    %dot_general3A_13 = tpu.matmul %slice3A_9, %get3A_12, %dot_general3A {dimension_numbers = #tpu.dot_dimension_numbers<[1], [0], [0], [1], [0, 0, 1, 1], [], []>, transpose_lhs_hint = false} : vector<256x8xf32>, vector<8x64xf32>, vector<256x64xf32> -> vector<256x64xf32>
    %add3A_14 = arith.constant 1.000000e-16 : f32
    %add3A_15 = vector.broadcast %add3A_14 : f32 to vector<256x64xf32>
    %add3A_16 = arith.addf %dot_general3A_13, %add3A_15 : vector<256x64xf32>
    %div3A = arith.divf %slice3A, %add3A_16 : vector<256x64xf32>
    %get3A_17 = arith.constant 0 : index
    %get3A_18 = arith.constant 0 : index
    %get3A_19 = vector.load %arg2[%get3A_17, %get3A_18] : memref<1x64xf32, #tpu.memory_space<vmem>>, vector<1x64xf32>
    %add3A_20 = vector.broadcast %get3A_19 : vector<1x64xf32> to vector<256x64xf32>
    %add3A_21 = arith.addf %div3A, %add3A_20 : vector<256x64xf32>
    %gt3A = arith.constant 0.000000e+00 : f32
    %gt3A_22 = vector.broadcast %gt3A : f32 to vector<256x64xf32>
    %gt3A_23 = arith.cmpf ogt, %add3A_21, %gt3A_22 : vector<256x64xf32>
    %exp3A = math.exp %add3A_21 : vector<256x64xf32>
    %sub3A = arith.constant 1.000000e+00 : f32
    %sub3A_24 = vector.broadcast %sub3A : f32 to vector<256x64xf32>
    %sub3A_25 = arith.subf %exp3A, %sub3A_24 : vector<256x64xf32>
    %select_n3A = arith.select %gt3A_23, %add3A_21, %sub3A_25 : vector<256x64xi1>, vector<256x64xf32>
    %mul3A = arith.constant 256 : i32
    %mul3A_26 = arith.muli %arg0, %mul3A : i32
    %iota3A = tpu.iota {dimensions = array<i32: 0>} : vector<256x1xi32>
    %add3A_27 = vector.broadcast %mul3A_26 : i32 to vector<256x1xi32>
    %add3A_28 = arith.addi %add3A_27, %iota3A : vector<256x1xi32>
    %lt3A = arith.constant 10000 : i32
    %lt3A_29 = vector.broadcast %lt3A : i32 to vector<256x1xi32>
    %lt3A_30 = arith.cmpi slt, %add3A_28, %lt3A_29 : vector<256x1xi32>
    %jit3A = arith.constant 0.000000e+00 : f32
    %broadcast_in_dim3A = vector.shape_cast %lt3A_30 : vector<256x1xi1> to vector<256x1xi1>
    %broadcast_in_dim3A_31 = vector.broadcast %broadcast_in_dim3A : vector<256x1xi1> to vector<256x64xi1>
    %broadcast_in_dim3A_32 = vector.broadcast %jit3A : f32 to vector<256x64xf32>
    %select_n3A_33 = arith.select %broadcast_in_dim3A_31, %select_n3A, %broadcast_in_dim3A_32 : vector<256x64xi1>, vector<256x64xf32>
    %get3A_34 = arith.constant 0 : index
    %get3A_35 = arith.constant 0 : index
    %get3A_36 = vector.load %arg3[%get3A_34, %get3A_35] : memref<64x64xf32, #tpu.memory_space<vmem>>, vector<64x64xf32>
    %dot_general3A_37 = arith.constant dense<0.000000e+00> : vector<256x64xf32>
    %dot_general3A_38 = tpu.matmul %select_n3A_33, %get3A_36, %dot_general3A_37 {dimension_numbers = #tpu.dot_dimension_numbers<[1], [0], [0], [1], [0, 0, 1, 1], [], []>, transpose_lhs_hint = false} : vector<256x64xf32>, vector<64x64xf32>, vector<256x64xf32> -> vector<256x64xf32>
    %get3A_39 = arith.constant 0 : index
    %get3A_40 = arith.constant 0 : index
    %get3A_41 = vector.load %arg4[%get3A_39, %get3A_40] : memref<64x8xf32, #tpu.memory_space<vmem>>, vector<64x8xf32>
    %dot_general3A_42 = arith.constant dense<0.000000e+00> : vector<256x8xf32>
    %dot_general3A_43 = tpu.matmul %dot_general3A_38, %get3A_41, %dot_general3A_42 {dimension_numbers = #tpu.dot_dimension_numbers<[1], [0], [0], [1], [0, 0, 1, 1], [], []>, transpose_lhs_hint = false} : vector<256x64xf32>, vector<64x8xf32>, vector<256x8xf32> -> vector<256x8xf32>
    %get3A_44 = arith.constant 0 : index
    %get3A_45 = arith.constant 0 : index
    %get3A_46 = vector.load %arg5[%get3A_44, %get3A_45] : memref<64x8xf32, #tpu.memory_space<vmem>>, vector<64x8xf32>
    %dot_general3A_47 = arith.constant dense<0.000000e+00> : vector<256x8xf32>
    %dot_general3A_48 = tpu.matmul %dot_general3A_38, %get3A_46, %dot_general3A_47 {dimension_numbers = #tpu.dot_dimension_numbers<[1], [0], [0], [1], [0, 0, 1, 1], [], []>, transpose_lhs_hint = false} : vector<256x64xf32>, vector<64x8xf32>, vector<256x8xf32> -> vector<256x8xf32>
    %broadcast_in_dim3A_49 = arith.constant 0.000000e+00 : f32
    %broadcast_in_dim3A_50 = vector.broadcast %broadcast_in_dim3A_49 : f32 to vector<256x8xf32>
    %concatenate3A = tpu.concatenate %dot_general3A_38, %dot_general3A_43, %broadcast_in_dim3A_50 in 1 : vector<256x64xf32>, vector<256x8xf32>, vector<256x8xf32> -> vector<256x80xf32>
    %swap3A = arith.constant 0 : index
    %swap3A_51 = arith.constant 0 : index
    %swap3A_52 = vector.load %arg7[%swap3A, %swap3A_51] : memref<256x80xf32, #tpu.memory_space<vmem>>, vector<256x80xf32>
    tpu.vector_store %arg7[%swap3A, %swap3A_51], %concatenate3A {strides = array<i32>} : memref<256x80xf32, #tpu.memory_space<vmem>>, vector<256x80xf32>,
    %concatenate3A_53 = tpu.concatenate %dot_general3A_48, %broadcast_in_dim3A_50 in 1 : vector<256x8xf32>, vector<256x8xf32> -> vector<256x16xf32>
    %swap3A_54 = arith.constant 0 : index
    %swap3A_55 = arith.constant 0 : index
    %swap3A_56 = vector.load %arg8[%swap3A_54, %swap3A_55] : memref<256x16xf32, #tpu.memory_space<vmem>>, vector<256x16xf32>
    tpu.vector_store %arg8[%swap3A_54, %swap3A_55], %concatenate3A_53 {strides = array<i32>} : memref<256x16xf32, #tpu.memory_space<vmem>>, vector<256x16xf32>,
    return
  }
  func.func @transform_0(%arg0: i32) -> (i32, i32, i32) {
    %c0_i32 = arith.constant 0 : i32
    %c0_i32_0 = arith.constant 0 : i32
    %c0_i32_1 = arith.constant 0 : i32
    return %c0_i32, %arg0, %c0_i32_0 : i32, i32, i32
  }
  func.func @transform_1(%arg0: i32) -> (i32, i32) {
    %c0_i32 = arith.constant 0 : i32
    %c0_i32_0 = arith.constant 0 : i32
    %c0_i32_1 = arith.constant 0 : i32
    return %c0_i32, %c0_i32_0 : i32, i32
  }
  func.func @transform_2(%arg0: i32) -> (i32, i32) {
    %c0_i32 = arith.constant 0 : i32
    %c0_i32_0 = arith.constant 0 : i32
    %c0_i32_1 = arith.constant 0 : i32
    return %c0_i32, %c0_i32_0 : i32, i32
  }
  func.func @transform_3(%arg0: i32) -> (i32, i32) {
    %c0_i32 = arith.constant 0 : i32
    %c0_i32_0 = arith.constant 0 : i32
    %c0_i32_1 = arith.constant 0 : i32
    return %c0_i32, %c0_i32_0 : i32, i32
  }
  func.func @transform_4(%arg0: i32) -> (i32, i32) {
    %c0_i32 = arith.constant 0 : i32
    %c0_i32_0 = arith.constant 0 : i32
    %c0_i32_1 = arith.constant 0 : i32
    return %c0_i32, %c0_i32_0 : i32, i32
  }
  func.func @transform_5(%arg0: i32) -> (i32, i32) {
    %c0_i32 = arith.constant 0 : i32
    %c0_i32_0 = arith.constant 0 : i32
    %c0_i32_1 = arith.constant 0 : i32
    return %c0_i32, %c0_i32_0 : i32, i32
  }
  func.func @transform_6(%arg0: i32) -> (i32, i32) {
    %c0_i32 = arith.constant 0 : i32
    %c0_i32_0 = arith.constant 0 : i32
    return %arg0, %c0_i32 : i32, i32
  }
  func.func @transform_7(%arg0: i32) -> (i32, i32) {
    %c0_i32 = arith.constant 0 : i32
    %c0_i32_0 = arith.constant 0 : i32
    return %arg0, %c0_i32 : i32, i32
  }
}

module attributes {stable_mosaic.version = 14 : i64} {
  func.func @_tc3_body(%arg0: i32, %arg1: memref<2x128x80xf32, #tpu.memory_space<vmem>>, %arg2: memref<1x64xf32, #tpu.memory_space<vmem>>, %arg3: memref<128x64xf32, #tpu.memory_space<vmem>>) attributes {dimension_semantics = [#tpu.dimension_semantics<arbitrary>], iteration_bounds = array<i64: 79>, scalar_prefetch = 0 : i64, scratch_operands = 0 : i64, tpu.core_type = #tpu.core_type<tc>, window_params = [{transform_indices = @transform_0, window_bounds = array<i64: 2, 128, 80>}, {pipeline_mode = #tpu.pipeline_mode<synchronous>, transform_indices = @transform_1, window_bounds = array<i64: 1, 64>}, {transform_indices = @transform_2, window_bounds = array<i64: 128, 64>}]} {
    %get3A = arith.constant 0 : index
    %get3A_0 = arith.constant 0 : index
    %get3A_1 = arith.constant 0 : index
    %get3A_2 = vector.load %arg1[%get3A, %get3A_0, %get3A_1] : memref<2x128x80xf32, #tpu.memory_space<vmem>>, vector<1x128x80xf32>
    %get3A_3 = vector.shape_cast %get3A_2 : vector<1x128x80xf32> to vector<128x80xf32>
    %get3A_4 = arith.constant 1 : index
    %get3A_5 = arith.constant 0 : index
    %get3A_6 = arith.constant 0 : index
    %get3A_7 = vector.load %arg1[%get3A_4, %get3A_5, %get3A_6] : memref<2x128x80xf32, #tpu.memory_space<vmem>>, vector<1x128x80xf32>
    %get3A_8 = vector.shape_cast %get3A_7 : vector<1x128x80xf32> to vector<128x80xf32>
    %add3A = arith.addf %get3A_3, %get3A_8 : vector<128x80xf32>
    %slice3A = vector.extract_strided_slice %add3A {offsets = [0, 0], sizes = [128, 64], strides = [1, 1]} : vector<128x80xf32> to vector<128x64xf32>
    %slice3A_9 = vector.extract_strided_slice %add3A {offsets = [0, 64], sizes = [128, 1], strides = [1, 1]} : vector<128x80xf32> to vector<128x1xf32>
    %add3A_10 = arith.constant 1.000000e-16 : f32
    %add3A_11 = vector.broadcast %add3A_10 : f32 to vector<128x1xf32>
    %add3A_12 = arith.addf %slice3A_9, %add3A_11 : vector<128x1xf32>
    %div3A = vector.broadcast %add3A_12 : vector<128x1xf32> to vector<128x64xf32>
    %div3A_13 = arith.divf %slice3A, %div3A : vector<128x64xf32>
    %get3A_14 = arith.constant 0 : index
    %get3A_15 = arith.constant 0 : index
    %get3A_16 = vector.load %arg2[%get3A_14, %get3A_15] : memref<1x64xf32, #tpu.memory_space<vmem>>, vector<1x64xf32>
    %add3A_17 = vector.broadcast %get3A_16 : vector<1x64xf32> to vector<128x64xf32>
    %add3A_18 = arith.addf %div3A_13, %add3A_17 : vector<128x64xf32>
    %reduce_max3A = arith.constant dense<0xFF800000> : vector<128xf32>
    %reduce_max3A_19 = vector.multi_reduction <maximumf>, %add3A_18, %reduce_max3A [1] : vector<128x64xf32> to vector<128xf32>
    %broadcast_in_dim3A = vector.shape_cast %reduce_max3A_19 : vector<128xf32> to vector<128x1xf32>
    %sub3A = vector.broadcast %broadcast_in_dim3A : vector<128x1xf32> to vector<128x64xf32>
    %sub3A_20 = arith.subf %add3A_18, %sub3A : vector<128x64xf32>
    %exp3A = math.exp %sub3A_20 : vector<128x64xf32>
    %reduce_sum3A = arith.constant dense<0.000000e+00> : vector<128xf32>
    %reduce_sum3A_21 = vector.multi_reduction <add>, %exp3A, %reduce_sum3A [1] : vector<128x64xf32> to vector<128xf32>
    %broadcast_in_dim3A_22 = vector.shape_cast %reduce_sum3A_21 : vector<128xf32> to vector<128x1xf32>
    %log3A = math.log %broadcast_in_dim3A_22 : vector<128x1xf32>
    %sub3A_23 = vector.broadcast %log3A : vector<128x1xf32> to vector<128x64xf32>
    %sub3A_24 = arith.subf %sub3A_20, %sub3A_23 : vector<128x64xf32>
    %swap3A = arith.constant 0 : index
    %swap3A_25 = arith.constant 0 : index
    %swap3A_26 = vector.load %arg3[%swap3A, %swap3A_25] : memref<128x64xf32, #tpu.memory_space<vmem>>, vector<128x64xf32>
    tpu.vector_store %arg3[%swap3A, %swap3A_25], %sub3A_24 {strides = array<i32>} : memref<128x64xf32, #tpu.memory_space<vmem>>, vector<128x64xf32>,
    return
  }
  func.func @transform_0(%arg0: i32) -> (i32, i32, i32) {
    %c0_i32 = arith.constant 0 : i32
    %c0_i32_0 = arith.constant 0 : i32
    %c0_i32_1 = arith.constant 0 : i32
    return %c0_i32, %arg0, %c0_i32_0 : i32, i32, i32
  }
  func.func @transform_1(%arg0: i32) -> (i32, i32) {
    %c0_i32 = arith.constant 0 : i32
    %c0_i32_0 = arith.constant 0 : i32
    %c0_i32_1 = arith.constant 0 : i32
    return %c0_i32, %c0_i32_0 : i32, i32
  }
  func.func @transform_2(%arg0: i32) -> (i32, i32) {
    %c0_i32 = arith.constant 0 : i32
    %c0_i32_0 = arith.constant 0 : i32
    return %arg0, %c0_i32 : i32, i32
  }
}

</mosaic_0001>

<sc_bundles>
// kernel: kernel.10.cloned.1.call-start
scs
__scs_entry_jumppad:
0x0: {  	(pc) =	sbr.rel $0x88, $3  }
0x1: {  	(tag) =	ssettag $0x0;
	lr =	simm.s32 $0x1  }
0x2: {  	[smem:$0x3F97] =	sst lr;
	_ =	strace $0xD0000000  }
0x3: {  	_ = 	snop  }
0x4: {  	_ = 	snop  }
0x5: {  	_ = 	snop  }
0x6: {  	_ = 	snop  }
0x7: {  	_ = 	snop  }
__scs_overlays_trampoline_lowered:
0x8: {  	[smem:$0x3FA6] =	sst s0  }
0x9: {  	[smem:$0x3FA7] =	sst s1  }
0xa: {  	[smem:$0x3FA8] =	sst s2  }
0xb: {  	[smem:$0x3FA9] =	sst s3  }
0xc: {  	[smem:$0x3FAA] =	sst s4  }
0xd: {  	[smem:$0x3FAB] =	sst s5  }
0xe: {  	[smem:$0x3FAC] =	sst s6  }
0xf: {  	[smem:$0x3FAD] =	sst s7  }
0x10: {  	[smem:$0x3FAE] =	sst s8  }
0x11: {  	[smem:$0x3FAF] =	sst s9;
	s0 =	simm.s32 @!p0 $0x0  }
0x12: {  	s1 =	sld [smem:$0x3F95];
	s0 =	simm.s32 @p0 $0x1  }
0x13: {  	[smem:$0x3FB0] =	sst s0;
	s0 =	simm.s32 @!p1 $0x0  }
0x14: {  	s2 =	sld [smem:$0x3F94];
	s0 =	simm.s32 @p1 $0x1  }
0x15: {  	[smem:$0x3FB1] =	sst s0;
	s0 =	simm.s32 @!p2 $0x0  }
0x16: {  	s3 =	sld [smem:$0x3FDB];
	s0 =	simm.s32 @p2 $0x1  }
0x17: {  	s4 =	simm.s32 $0x1BF5;
	[smem:$0x3FB3] =	sst s0  }
0x18: {  	s0 =	sld [smem:$0x3F96];
	_ =	swait.ge [sflag:s4], $0x0  }
0x19: {  	s7 =	sld [smem:$0x3F97]  }
0x1a: {  	s8 =	sadd.s32 $0xFFFFE003, lr  }
0x1b: {  	s9 =	sadd.s32 $0xFFFFFEF7, lr;
	s5 =	simm.s32 $0xFFFFFFFF;
	p2 =	slt.u32 s8, $0xFFFFF086  }
0x1c: {  	p1 =	slt.u32 s9, $0xF7A;
	s5 =	simm.s32 @!p2 $0x0  }
0x1d: {  	s5 =	simm.s32 @p1 $0x1;
	p0 =	seq.s32 s7, s2  }
0x1e: {  	s7 =	smul.u32 @!p0 $0xF7A, s2;
	p2 =	seq.s32 @!p0 s5, $0x0  }
0x1f: {  	s9 =	smul.u32 $0xF7A, s1;
	s8 =	simm.s32 @!p0 $0x1BF5;
	p2 =	por !p2, p0  }
0x20: {  	[sflag:s8] =	ssyncset.s32 @!p0 $0xFFFFF086;
	s6 =	sadd.s32 @!p0 s3, s7;
	s7 =	simm.s32 @!p0 $0x108  }
0x21: {  	s3 =	sadd.s32 s3, s9;
	s6 =	sadd.s32 @!p0 $0x88, s6;
	s7 =	simm.s32 @p2 $0x1082  }
0x22: {  	[simem:s7], [sflag:s8] =	dma.local @!p0 [hbm:s6], $0xF7A  }
0x23: {  	s9 =	sor.u32 $0xD0000000, s2;
	s6 =	simm.s32 $0x108;
	_ =	swait.ge @!p0 [sflag:s8], $0x0  }
0x24: {  	s3 =	sadd.s32 $0x88, s3;
	s6 =	simm.s32 @!p1 $0x1082;
	[sflag:s4] =	ssyncset.s32 $0xFFFFF086  }
0x25: {  	[simem:s6], [sflag:s4] =	dma.local [hbm:s3], $0xF7A  }
0x26: {  	[smem:$0x3F97] =	sst s1;
	(tag) =	ssettag s2;
	_ =	strace s9  }
0x27: {  	s1 =	sld [smem:$0x3FA7]  }
0x28: {  	s2 =	sld [smem:$0x3FA8]  }
0x29: {  	s4 =	sld [smem:$0x3FAA]  }
0x2a: {  	p0 =	seq.s32 s5, $0x0;
	s5 =	sld [smem:$0x3FAB]  }
0x2b: {  	s6 =	sld [smem:$0x3FAC]  }
0x2c: {  	s7 =	sld [smem:$0x3FAD]  }
0x2d: {  	s3 =	simm.s32 $0x108;
	s8 =	sld [smem:$0x3FAE]  }
0x2e: {  	s3 =	simm.s32 @!p0 $0x1082;
	s9 =	sld [smem:$0x3FAF]  }
0x2f: {  	lr =	sadd.s32 s0, s3;
	s0 =	sld [smem:$0x3FA6]  }
0x30: {  	s3 =	sld [smem:$0x3FA9]  }
0x31: {  	[smem:$0x3FB2] =	sst s10  }
0x32: {  	s10 =	sld [smem:$0x3FB0];
	_ =	sdelay $0x3  }
0x33: {  	p0 =	seq.s32 s10, $0x1;
	s10 =	sld [smem:$0x3FB2];
	_ =	sdelay $0x3  }
0x34: {  	[smem:$0x3FB2] =	sst s10  }
0x35: {  	s10 =	sld [smem:$0x3FB1];
	_ =	sdelay $0x3  }
0x36: {  	p1 =	seq.s32 s10, $0x1;
	s10 =	sld [smem:$0x3FB2];
	_ =	sdelay $0x3  }
0x37: {  	[smem:$0x3FB2] =	sst s10  }
0x38: {  	s10 =	sld [smem:$0x3FB3]  }
0x39: {  	_ = 	snop;
	(pc) =	sbr.ind lr, $3  }
0x3a: {  	_ = 	snop  }
0x3b: {  	_ = 	snop  }
0x3c: {  	p2 =	seq.s32 s10, $0x1;
	s10 =	sld [smem:$0x3FB2]  }
0x3d: {  	_ =	shalt  }
0x3e: {  	_ =	shalt  }
0x3f: {  	_ =	shalt  }
0x40: {  	_ =	shalt  }
0x41: {  	_ =	shalt  }
0x42: {  	_ =	shalt  }
0x43: {  	_ =	shalt  }
0x44: {  	_ =	shalt  }
0x45: {  	_ =	shalt  }
0x46: {  	_ =	shalt  }
0x47: {  	_ =	shalt  }
0x48: {  	_ =	shalt  }
0x49: {  	_ =	shalt  }
0x4a: {  	_ =	shalt  }
0x4b: {  	_ =	shalt  }
0x4c: {  	_ =	shalt  }
0x4d: {  	_ =	shalt  }
0x4e: {  	_ =	shalt  }
0x4f: {  	_ =	shalt  }
0x50: {  	_ =	shalt  }
0x51: {  	_ =	shalt  }
0x52: {  	_ =	shalt  }
0x53: {  	_ =	shalt  }
0x54: {  	_ =	shalt  }
0x55: {  	_ =	shalt  }
0x56: {  	_ =	shalt  }
0x57: {  	_ =	shalt  }
0x58: {  	_ =	shalt  }
0x59: {  	_ =	shalt  }
0x5a: {  	_ =	shalt  }
0x5b: {  	_ =	shalt  }
0x5c: {  	_ =	shalt  }
0x5d: {  	_ =	shalt  }
0x5e: {  	_ =	shalt  }
0x5f: {  	_ =	shalt  }
0x60: {  	_ =	shalt  }
0x61: {  	_ =	shalt  }
0x62: {  	_ =	shalt  }
0x63: {  	_ =	shalt  }
0x64: {  	_ =	shalt  }
0x65: {  	_ =	shalt  }
0x66: {  	_ =	shalt  }
0x67: {  	_ =	shalt  }
0x68: {  	_ =	shalt  }
0x69: {  	_ =	shalt  }
0x6a: {  	_ =	shalt  }
0x6b: {  	_ =	shalt  }
0x6c: {  	_ =	shalt  }
0x6d: {  	_ =	shalt  }
0x6e: {  	_ =	shalt  }
0x6f: {  	_ =	shalt  }
0x70: {  	_ =	shalt  }
0x71: {  	_ =	shalt  }
0x72: {  	_ =	shalt  }
0x73: {  	_ =	shalt  }
0x74: {  	_ =	shalt  }
0x75: {  	_ =	shalt  }
0x76: {  	_ =	shalt  }
0x77: {  	_ =	shalt  }
0x78: {  	_ =	shalt  }
0x79: {  	_ =	shalt  }
0x7a: {  	_ =	shalt  }
0x7b: {  	_ =	shalt  }
0x7c: {  	_ =	shalt  }
0x7d: {  	_ =	shalt  }
0x7e: {  	_ =	shalt  }
0x7f: {  	_ =	shalt  }
0x80: {  	_ =	shalt  }
0x81: {  	_ =	shalt  }
0x82: {  	_ =	shalt  }
0x83: {  	_ =	shalt  }
0x84: {  	_ =	shalt  }
0x85: {  	_ =	shalt  }
0x86: {  	_ =	shalt  }
0x87: {  	_ =	shalt  }
.Lfunc_end0:
.L_simem_size_0:
called_computation.1_lowered:
.L_overlay_start_0:
0x88: {  	s2 =	sld [smem:$0x3FD9]  }
0x89: {  	s3 =	sld [smem:$0x3FFE];
	_ =	sdelay $0x1  }
0x8a: {  	s1 =	srdreg.scid  }
0x8b: {  	s0 =	sand.u32 $0x1, s1  }
0x8c: {  	s17 =	sshll.u32 s0, $0xA;
	s2 =	sadd.s32 s3, s2  }
0x8d: {  	s2 =	sadd.s32 s2, s17  }
0x8e: {  	[smem:$0x3FBE] =	sst s2  }
0x8f: {  	_ = 	snop  }
0x90: {  	s2 =	sld [smem:$0x3FD0];
	(tm) =	ssettm $0x1  }
0x91: {  	s18 =	sld [smem:$0x3FFB];
	_ =	sdelay $0x3  }
0x92: {  	_ =	strace s18  }
0x93: {  	s3 =	sld [smem:$0x3FFC];
	_ =	sdelay $0x3  }
0x94: {  	_ =	strace s3  }
0x95: {  	s3 =	sld [smem:$0x3FFD];
	_ =	sdelay $0x3  }
0x96: {  	_ =	strace s3  }
0x97: {  	_ =	strace $0x8FFFFFFF  }
0x98: {  	s19 =	sld [smem:$0x3FDB];
	_ =	sdelay $0x1  }
0x99: {  	s4 =	simm.s32 $_scs_section_size  }
0x9a: {  	s5 =	simm.s32 $_size__tile_overlayer_lowered;
	s6 =	simm.s32 $_tile_overlayer_lowered  }
0x9b: {  	s22 =	simm.s32 $0x1BFF;
	s21 =	sshll.u32 s6, $0x1;
	s3 =	sadd.s32 s4, s19  }
0x9c: {  	s7 =	simm.s32 $0x0;
	s20 =	sshll.u32 s5, $0x1;
	s5 =	sadd.s32 s21, s3  }
0x9d: {  	[timem:s7], [sflag:s22] =	dma.local [hbm:s5], s20  }
0x9e: {  	_ =	swait.ge [sflag:s22], s20  }
0x9f: {  	s4 =	ssub.s32 $0x0, s20;
	[sflag:s22] =	ssyncset.done $0x0  }
0xa0: {  	[sflag:s22] =	ssyncadd.s32 s4;
	_ =	sdelay $0x1  }
0xa1: {  	s23 =	simm.s32 $0x1B8B  }
0xa2: {  	_ =	swait.ge [sflag:s23], $0x1  }
0xa3: {  	[sflag:s23] =	ssyncset.done $0x0  }
0xa4: {  	s25 =	simm.s32 $0x1B8E;
	s24 =	sld [smem:$0x3FFE];
	[sflag:s23] =	ssyncadd.s32 $0xFFFFFFFF  }
0xa5: {  	s26 =	simm.s32 $execute0_lowered;
	[smem:$0x3FD2] =	sst s25  }
0xa6: {  	s5 =	sshll.u32 s26, $0x1;
	_ =	strace $0x80000049;
	[dreg:$0x1] =	wrdreg $0xFFFFFFFF  }
0xa7: {  	s28 =	simm.s32 $_size_execute0_lowered;
	s3 =	sadd.s32 s3, s5;
	[dreg:$0x0] =	wrdreg $0x0  }
0xa8: {  	s5 =	sshll.u32 s28, $0x1;
	[dreg:$0x2] =	wrdreg s3  }
0xa9: {  	[dreg:$0x3] =	wrdreg s5  }
0xaa: {  	[dreg:$0x4] =	wrdreg $0xC0  }
0xab: {  	_ =	task [dreg:s7], $0x5FFFF  }
0xac: {  	[dreg:$0x1] =	wrdreg $0xFFFFFFFF  }
0xad: {  	[dreg:$0x0] =	wrdreg $0x60  }
0xae: {  	[dreg:$0x2] =	wrdreg s24  }
0xaf: {  	[dreg:$0x3] =	wrdreg s2  }
0xb0: {  	[dreg:$0x4] =	wrdreg $0x81000  }
0xb1: {  	[dreg:$0x5] =	wrdreg $0x9  }
0xb2: {  	_ =	task.clear_ibuf [dreg:s7], $0x6FFFF;
	_ =	strace $0x90000049  }
0xb3: {  	s29 =	simm.s32 $0x9;
	_ =	strace $0x8000004B  }
0xb4: {  	_ =	swait.ge [sflag:s29], $0x1  }
0xb5: {  	[sflag:s29] =	ssyncadd.s32 $0xFFFFFFFF  }
0xb6: {  	_ =	strace $0x9000004B  }
0xb7: {  	_ =	sfence  }
0xb8: {  	s30 =	sld [smem:$0x0];
	_ =	sdelay $0x2  }
0xb9: {  	s31 =	sshll.u32 s1, $0xD;
	s1 =	sshrl.u32 s1, $0x2  }
0xba: {  	s3 =	sand.u32 $0x4000, s31;
	s1 =	sadd.s32 s1, s30  }
0xbb: {  	s0 =	sor.u32 s3, s0;
	s1 =	sshll.u32 s1, $0x11  }
0xbc: {  	s0 =	sor.u32 s1, s0  }
0xbd: {  	s0 =	sadd.s32 $0x8F2B, s0  }
0xbe: {  	[sflag:s0] =	ssyncadd.remote.s32 $0x1  }
0xbf: {  	_ =	sfence.sel $0xFFFF  }
0xc0: {  	[dreg:$0x0] =	wrdreg $0xFFFFFFFF;
	(pc) =	sbr.abs _section_cstart, $3  }
0xc1: {  	[dreg:$0x1] =	wrdreg $0xFFFFFFFF  }
0xc2: {  	_ =	task.clear_ibuf [dreg:s7], $0x2FFFF;
	_ =	strace $0x9FFFFFFF  }
0xc3: {  	(tm) =	ssettm $0x7FFFFFFF  }
tec
execute0_lowered:
.L_overlay_start_1:
0x0: {  	(tag) =	ssettag $0x1  }
0x1: {  	s0 =	rddreg [dreg:$0x0]  }
0x2: {  	s1 =	rddreg [dreg:$0x1]  }
0x3: {  	s2 =	rddreg [dreg:$0x2];
	s4 =	simm.s32 $0x0;
	s13 =	stileid.u32  }
0x4: {  	s3 =	srdreg.scid;
	s20 =	simm.s32 $0x5900;
	s21 =	simm.s32 $0x3  }
0x5: {  	s22 =	simm.s32 $0x80;
	s23 =	simm.s32 $0x100;
	s24 =	simm.s32 $0x1  }
0x6: {  	s28 =	simm.s32 $0x0;
	[smem:$0x7FF] =	sst s4;
	s5 =	sadd.s32 $0x1200, s0  }
0x7: {  	s10 =	smul.u32 $0x280, s13;
	s6 =	sadd.s32 $0x1A200, s0;
	s7 =	sadd.s32 $0x1F200, s0  }
0x8: {  	s3 =	sand.u32 $0x1, s3;
	s11 =	smul.u32 $0x32000, s13;
	s13 =	sshll.u32 s13, $0x1  }
0x9: {  	s0 =	sadd.s32 $0x29000, s0;
	_ =	strace $0x8000004A;
	s8 =	ssub.s32 $0x2, s3  }
0xa: {  	s13 =	sor.u32 s3, s13;
	s3 =	smul.u32 $0x2800, s3;
	s12 =	sadd.s32 $0x80, s10  }
0xb: {  	s9 =	sshrl.u32 s8, $0x1;
	s25 =	sshrl.u32 s11, $0x2;
	s29 =	sadd.s32 $0x14000, s11  }
0xc: {  	s15 =	sadd.s32 $0x1E000, s11;
	s11 =	sadd.s32 $0x28000, s11;
	s13 =	smul.u32 $0x2780, s13  }
0xd: {  	s14 =	smul.u32 $0x140, s12;
	s19 =	ssub.s32 s8, s9;
	s8 =	sadd.s32 s25, s2  }
0xe: {  	s10 =	sadd.s32 s10, s3;
	s3 =	sadd.s32 s3, s12;
	s30 =	sshrl.u32 s15, $0x2  }
0xf: {  	s31 =	sshrl.u32 s11, $0x2;
	s25 =	simm.s32 $0x2;
	s16 =	smul.u32 $0xA, s10  }
0x10: {  	s3 =	smul.u32 $0xA, s3;
	s11 =	sadd.s32 s30, s2;
	s12 =	sadd.s32 s31, s2  }
0x11: {  	s19 =	smax.u32 s19, $0x1;
	s26 =	sshrl.u32 s14, $0x2;
	s14 =	sshrl.u32 s29, $0x2  }
0x12: {  	v0 =	vlaneseq.u32;
	s10 =	sadd.s32 s14, s2;
	s14 =	sadd.s32 s0, s16;
	s0 =	sadd.s32 s0, s3  }
0x13: {  	v1 =	vimm.f32 $0.0e+00;
	vm0 =	vmmov $0xff;
	v0 =	vshrl.u32 v0, $0x3;
	s9 =	sadd.s32 s26, s2;
	s26 =	simm.s32 $0x3100;
	[dreg:$0x4] =	wrdreg s0  }
0x14: {  	v2 =	vor.u32 $0x2, v0;
	v3 =	vor.u32 $0x4, v0;
	v4 =	vor.u32 $0x6, v0;
	s16 =	sadd.s32 $0xA00, s14;
	s17 =	sadd.s32 $0xF00, s14;
	s18 =	sadd.s32 $0x1400, s14  }
.LBB2_1:
0x15: {  	s3 =	simm.s32 $0x140;
	s0 =	simm.s32 $0x0  }
.LBB2_2:
0x16: {  	p0 =	sne.s32 s3, $0x9EC0;
	[tilespmem:s0+$0x5940] =	vst v1;
	s29 =	smov.u32 s3;
	s3 =	sadd.s32 $0x140, s3  }
.Ltmp0:
0x17: {  	[tilespmem:s0+$0x5930] =	vst v1;
	(pc) =	sbr.rel @p0 .LBB2_2-.Ltmp0, $4  }
0x18: {  	[tilespmem:s0+$0x5920] =	vst v1  }
0x19: {  	[tilespmem:s0+$0x5900] =	vst v1  }
0x1a: {  	[tilespmem:s0+$0x5910] =	vst v1  }
0x1b: {  	s0 =	sshra.s32 s29, $0x2  }
0x1c: {  	[tilespmem:s0+$0x5940] =	vst v1  }
0x1d: {  	[tilespmem:s0+$0x5930] =	vst v1  }
0x1e: {  	[tilespmem:s0+$0x5920] =	vst v1  }
0x1f: {  	[tilespmem:s0+$0x5900] =	vst v1  }
0x20: {  	[tilespmem:s0+$0x5910] =	vst v1  }
0x21: {  	[spmem:s8] =	stream.linear.scatter [tilespmem:s20], [sflag:$0x3], $0x2800, $0x38;
	[tilespmem:$0x14900] =	vst v63  }
0x22: {  	_ =	swait.ge [sflag:s21], $0x2800  }
0x23: {  	[sflag:s21] =	ssyncset.done $0x0  }
0x24: {  	[sflag:s21] =	ssyncadd.s32 $0xFFFFD800  }
0x25: {  	[spmem:s9] =	stream.linear.scatter [tilespmem:s20], [sflag:$0x3], $0x2800, $0x38;
	[tilespmem:$0x14900] =	vst v63  }
0x26: {  	_ =	swait.ge [sflag:s21], $0x2800  }
0x27: {  	[sflag:s21] =	ssyncset.done $0x0  }
0x28: {  	[sflag:s21] =	ssyncadd.s32 $0xFFFFD800  }
0x29: {  	[spmem:s10] =	stream.linear.scatter [tilespmem:s20], [sflag:$0x3], $0x2800, $0x38;
	[tilespmem:$0x14900] =	vst v63  }
0x2a: {  	_ =	swait.ge [sflag:s21], $0x2800  }
0x2b: {  	[sflag:s21] =	ssyncset.done $0x0  }
0x2c: {  	[sflag:s21] =	ssyncadd.s32 $0xFFFFD800  }
0x2d: {  	[spmem:s11] =	stream.linear.scatter [tilespmem:s20], [sflag:$0x3], $0x2800, $0x38;
	[tilespmem:$0x14900] =	vst v63  }
0x2e: {  	_ =	swait.ge [sflag:s21], $0x2800  }
0x2f: {  	[sflag:s21] =	ssyncset.done $0x0  }
0x30: {  	[sflag:s21] =	ssyncadd.s32 $0xFFFFD800  }
0x31: {  	[spmem:s12] =	stream.linear.scatter [tilespmem:s20], [sflag:$0x3], $0x2800, $0x38;
	[tilespmem:$0x14900] =	vst v63  }
0x32: {  	_ =	swait.ge [sflag:s21], $0x2800  }
0x33: {  	[sflag:s21] =	ssyncset.done $0x0  }
0x34: {  	[sflag:s21] =	ssyncadd.s32 $0xFFFFD800  }
0x35: {  	s29 =	simm.s32 $0x0;
	s30 =	simm.s32 $0x0;
	[bflag:$0x0] =	sbarrier.arrive $0xFFFF  }
.LBB2_4:
0x36: {  	s0 =	sshll.u32 s30, $0x7  }
0x37: {  	s0 =	sadd.s32 s13, s0  }
0x38: {  	s0 =	sshrl.u32 s0, $0x3  }
0x39: {  	s3 =	sadd.s32 s1, s0  }
0x3a: {  	[tilespmem:s29], [sflag:$0x3] =	stream.linear.gather [hbm4b:s3+s29], $0x80, $0x38;
	[tilespmem:$0x14900] =	vst v63  }
0x3b: {  	_ =	swait.ge [sflag:s21], $0x80  }
0x3c: {  	[sflag:s21] =	ssyncset.done $0x0  }
0x3d: {  	s0 =	sadd.s32 s7, s0;
	[sflag:s21] =	ssyncadd.s32 $0xFFFFFF80  }
0x3e: {  	[tilespmem:s22], [sflag:$0x3] =	stream.linear.gather [hbm4b:s0+s29], $0x80, $0x38;
	[tilespmem:$0x14900] =	vst v63  }
0x3f: {  	_ =	swait.ge [sflag:s21], $0x80  }
0x40: {  	[sflag:s21] =	ssyncset.done $0x0  }
0x41: {  	[sflag:s21] =	ssyncadd.s32 $0xFFFFFF80  }
0x42: {  	[tilespmem:s23], [sflag:$0x1] =	stream.indirect.gather [hbm4b:s5+s22], $0x50, s29, s22, $0xb8;
	[tilespmem:$0x14900] =	vst v63  }
0x43: {  	s0 =	simm.s32 $0x2900  }
0x44: {  	[tilespmem:s0], [sflag:$0x2] =	stream.indirect.gather [hbm4b:s6+s22], $0x10, s22, s22, $0xb8;
	[tilespmem:$0x14900] =	vst v63  }
0x45: {  	_ =	swait.ge [sflag:s24], $0x2800  }
0x46: {  	[sflag:s24] =	ssyncset.done $0x0  }
0x47: {  	[sflag:s24] =	ssyncadd.s32 $0xFFFFD800  }
0x48: {  	_ =	swait.ge [sflag:s25], $0x800  }
0x49: {  	[sflag:s25] =	ssyncset.done $0x0  }
0x4a: {  	s31 =	simm.s32 $0x0;
	[sflag:s25] =	ssyncadd.s32 $0xFFFFF800  }
0x4b: {  	s3 =	simm.s32 $0x140;
	v5 =	vld [tilespmem:s31+$0x140]  }
.LBB2_5:
0x4c: {  	p0 =	sne.s32 s3, $0x9EC0;
	v6 =	vld [tilespmem:s0+$0x0];
	_ =	sdelay $0x4  }
0x4d: {  	v5 =	vadd.f32 v6, v5;
	_ =	sdelay $0x1  }
0x4e: {  	v6 =	vmul.f32 $2.000000030e-01, v5  }
0x4f: {  	vm1 =	vge.f32 v5, $0.0e+00  }
0x50: {  	v5 =	vsel vm1, v5, v6  }
0x51: {  	v5 =	vmul.f32 $1.442695020e+00, v5;
	_ =	sdelay $0x1  }
0x52: {  	(erf) = vpow2.f32 v5;
	_ =	sdelay $0x4  }
0x53: {  	v5 =	vld [tilespmem:s31+$0x100]  }
0x54: {  	v6 =	vld [tilespmem:s31+$0x110]  }
0x55: {  	v7 =	vld [tilespmem:s31+$0x120]  }
0x56: {  	v8 =	vld [tilespmem:s31+$0x130]  }
0x57: {  	v9 =	vpop (erf)  }
0x58: {  	v10 =	vperm.xlane v9, v0;
	v11 =	vperm.xlane v9, v2;
	v12 =	vnsel vm0, $0x0, v9  }
0x59: {  	v13 =	vperm.xlane v9, v3;
	v9 =	vperm.xlane v9, v4;
	[tilespmem:s31+$0x3140] =	vst v12  }
0x5a: {  	v5 =	vmul.f32 v10, v5;
	v6 =	vmul.f32 v11, v6  }
.Ltmp1:
0x5b: {  	v7 =	vmul.f32 v13, v7;
	v8 =	vmul.f32 v9, v8;
	(pc) =	sbr.rel @p0 .LBB2_5-.Ltmp1, $4  }
0x5c: {  	[tilespmem:s31+$0x3100] =	vst v5  }
0x5d: {  	[tilespmem:s31+$0x3110] =	vst v6  }
0x5e: {  	s15 =	sshra.s32 s3, $0x2;
	[tilespmem:s31+$0x3120] =	vst v7  }
0x5f: {  	s3 =	sadd.s32 $0x140, s3;
	s0 =	sadd.s32 $0x10, s0;
	v5 =	vld [tilespmem:s15+$0x140];
	[tilespmem:s31+$0x3130] =	vst v8;
	s31 =	smov.u32 s15  }
0x60: {  	v6 =	vld [tilespmem:s0+$0x0];
	_ =	sdelay $0x4  }
0x61: {  	v5 =	vadd.f32 v6, v5;
	_ =	sdelay $0x1  }
0x62: {  	v6 =	vmul.f32 $2.000000030e-01, v5  }
0x63: {  	vm1 =	vge.f32 v5, $0.0e+00  }
0x64: {  	v5 =	vsel vm1, v5, v6  }
0x65: {  	v5 =	vmul.f32 $1.442695020e+00, v5;
	_ =	sdelay $0x1  }
0x66: {  	(erf) = vpow2.f32 v5;
	_ =	sdelay $0x6  }
0x67: {  	v5 =	vld [tilespmem:s31+$0x100]  }
0x68: {  	v6 =	vld [tilespmem:s31+$0x110]  }
0x69: {  	v7 =	vld [tilespmem:s31+$0x120];
	v8 =	vpop (erf)  }
0x6a: {  	v9 =	vld [tilespmem:s31+$0x130];
	v10 =	vperm.xlane v8, v0  }
0x6b: {  	v11 =	vperm.xlane v8, v2  }
0x6c: {  	v12 =	vnsel vm0, $0x0, v8;
	v13 =	vperm.xlane v8, v3;
	v5 =	vmul.f32 v10, v5  }
0x6d: {  	v8 =	vperm.xlane v8, v4;
	[tilespmem:s31+$0x3140] =	vst v12;
	v6 =	vmul.f32 v11, v6  }
0x6e: {  	v7 =	vmul.f32 v13, v7;
	[tilespmem:s31+$0x3100] =	vst v5  }
0x6f: {  	s30 =	sadd.s32 $0x1, s30;
	v5 =	vmul.f32 v8, v9;
	[tilespmem:s31+$0x3110] =	vst v6  }
0x70: {  	p0 =	sne.s32 s30, $0x4F;
	[tilespmem:s31+$0x3120] =	vst v7  }
.Ltmp2:
0x71: {  	[tilespmem:s31+$0x3130] =	vst v5;
	(pc) =	sbr.rel @p0 .LBB2_4-.Ltmp2, $4  }
0x72: {  	[spmem:s2] =	stream.indirect.scatter.add.f32 [tilespmem:s26], [sflag:$0x3], $0x50, s22, s22, $0xb8;
	[tilespmem:$0x14900] =	vst v63  }
0x73: {  	_ =	swait.ge [sflag:s21], $0x2800  }
0x74: {  	[sflag:s21] =	ssyncset.done $0x0  }
0x75: {  	[sflag:s21] =	ssyncadd.s32 $0xFFFFD800  }
0x76: {  	[bflag:$0x0] =	sbarrier.arrive $0xFFFF  }
0x77: {  	[tilespmem:s20], [sflag:$0x3] =	stream.linear.gather [spmem:s8], $0x2800, $0x38;
	[tilespmem:$0x14900] =	vst v63  }
0x78: {  	_ =	swait.ge [sflag:s21], $0x2800  }
0x79: {  	[sflag:s21] =	ssyncset.done $0x0  }
0x7a: {  	[sflag:s21] =	ssyncadd.s32 $0xFFFFD800  }
0x7b: {  	[hbm4b:s14+s4] =	stream.linear.scatter [tilespmem:s20], [sflag:$0x3], $0x2800, $0x38;
	[tilespmem:$0x14900] =	vst v63  }
0x7c: {  	_ =	swait.ge [sflag:s21], $0x2800  }
0x7d: {  	[sflag:s21] =	ssyncset.done $0x0  }
0x7e: {  	[sflag:s21] =	ssyncadd.s32 $0xFFFFD800  }
0x7f: {  	[tilespmem:s20], [sflag:$0x3] =	stream.linear.gather [spmem:s9], $0x2800, $0x38;
	[tilespmem:$0x14900] =	vst v63  }
0x80: {  	_ =	swait.ge [sflag:s21], $0x2800  }
0x81: {  	[sflag:s21] =	ssyncset.done $0x0  }
0x82: {  	s0 =	rddreg [dreg:$0x4];
	[sflag:s21] =	ssyncadd.s32 $0xFFFFD800  }
0x83: {  	[hbm4b:s0+s4] =	stream.linear.scatter [tilespmem:s20], [sflag:$0x3], $0x2800, $0x38;
	[tilespmem:$0x14900] =	vst v63  }
0x84: {  	_ =	swait.ge [sflag:s21], $0x2800  }
0x85: {  	[sflag:s21] =	ssyncset.done $0x0  }
0x86: {  	[sflag:s21] =	ssyncadd.s32 $0xFFFFD800  }
0x87: {  	[tilespmem:s20], [sflag:$0x3] =	stream.linear.gather [spmem:s10], $0x2800, $0x38;
	[tilespmem:$0x14900] =	vst v63  }
0x88: {  	_ =	swait.ge [sflag:s21], $0x2800  }
0x89: {  	[sflag:s21] =	ssyncset.done $0x0  }
0x8a: {  	[sflag:s21] =	ssyncadd.s32 $0xFFFFD800  }
0x8b: {  	[hbm4b:s16+s4] =	stream.linear.scatter [tilespmem:s20], [sflag:$0x3], $0x2800, $0x38;
	[tilespmem:$0x14900] =	vst v63  }
0x8c: {  	_ =	swait.ge [sflag:s21], $0x2800  }
0x8d: {  	[sflag:s21] =	ssyncset.done $0x0  }
0x8e: {  	[sflag:s21] =	ssyncadd.s32 $0xFFFFD800  }
0x8f: {  	[tilespmem:s20], [sflag:$0x3] =	stream.linear.gather [spmem:s11], $0x2800, $0x38;
	[tilespmem:$0x14900] =	vst v63  }
0x90: {  	_ =	swait.ge [sflag:s21], $0x2800  }
0x91: {  	[sflag:s21] =	ssyncset.done $0x0  }
0x92: {  	[sflag:s21] =	ssyncadd.s32 $0xFFFFD800  }
0x93: {  	[hbm4b:s17+s4] =	stream.linear.scatter [tilespmem:s20], [sflag:$0x3], $0x2800, $0x38;
	[tilespmem:$0x14900] =	vst v63  }
0x94: {  	_ =	swait.ge [sflag:s21], $0x2800  }
0x95: {  	[sflag:s21] =	ssyncset.done $0x0  }
0x96: {  	[sflag:s21] =	ssyncadd.s32 $0xFFFFD800  }
0x97: {  	[tilespmem:s20], [sflag:$0x3] =	stream.linear.gather [spmem:s12], $0x2800, $0x38;
	[tilespmem:$0x14900] =	vst v63  }
0x98: {  	s28 =	sadd.s32 $0x1, s28;
	_ =	swait.ge [sflag:s21], $0x2800  }
0x99: {  	p0 =	sne.s32 s28, s19;
	[sflag:s21] =	ssyncset.done $0x0  }
.Ltmp3:
0x9a: {  	[sflag:s21] =	ssyncadd.s32 $0xFFFFD800;
	(pc) =	sbr.rel @p0 .LBB2_1-.Ltmp3, $4  }
0x9b: {  	[hbm4b:s18+s4] =	stream.linear.scatter [tilespmem:s20], [sflag:$0x3], $0x2800, $0x38;
	[tilespmem:$0x14900] =	vst v63  }
0x9c: {  	_ =	swait.ge [sflag:s21], $0x2800  }
0x9d: {  	[sflag:s21] =	ssyncset.done $0x0  }
0x9e: {  	[sflag:s21] =	ssyncadd.s32 $0xFFFFD800  }
0x9f: {  	_ =	sfence.sel $0x180000  }
0xa0: {  	[bflag:$0x0] =	sbarrier.arrive $0xFFFF  }
0xa1: {  	_ =	strace $0x9000004A  }
0xa2: {  	s0 =	stileid.u32;
	[bflag:$0x2] =	sbarrier.arrive $0xFFFF  }
0xa3: {  	p0 =	sne.s32 s0, $0x0;
	s0 =	rddreg [dreg:$0x3]  }
0xa4: {  	s0 =	sadd.s32 @!p0 $0x100000, s0  }
0xa5: {  	[sflag:s0] =	ssyncadd.tile.s32 @!p0 $0x1;
	_ =	shalt  }
.Lfunc_end2:
_tile_overlayer_lowered:
.L_overlay_start_2:
0xa6: {  	(tag) =	ssettag $0x2  }
0xa7: {  	s0 =	rddreg [dreg:$0x0];
	s2 =	stileid.u32  }
0xa8: {  	s1 =	rddreg [dreg:$0x1];
	p0 =	sne.s32 s2, $0x0  }
0xa9: {  	s3 =	rddreg [dreg:$0x2];
	[bflag:$0x3] =	sbarrier.arrive $0xFFFF;
	s2 =	simm.s32 @!p0 $0x1C03  }
0xaa: {  	[timem:s3], [sflag:s2] =	dma.local @!p0 [hbm:s0], s1  }
0xab: {  	s0 =	simm.s32 @!p0 $0x3  }
0xac: {  	_ =	swait.ge @!p0 [sflag:s0], s1  }
0xad: {  	s1 =	ssub.s32 @!p0 $0x0, s1;
	[sflag:s0] =	ssyncset.done @!p0 $0x0  }
0xae: {  	[sflag:s0] =	ssyncadd.s32 @!p0 s1  }
0xaf: {  	[bflag:$0x3] =	sbarrier.arrive $0xFFFF  }
0xb0: {  	_ =	shalt  }

// kernel: kernel.7.cloned.1.call-start
scs
__scs_entry_jumppad:
0x0: {  	(pc) =	sbr.rel $0x88, $3  }
0x1: {  	(tag) =	ssettag $0x0;
	lr =	simm.s32 $0x1  }
0x2: {  	[smem:$0x3F97] =	sst lr;
	_ =	strace $0xD0000000  }
0x3: {  	_ = 	snop  }
0x4: {  	_ = 	snop  }
0x5: {  	_ = 	snop  }
0x6: {  	_ = 	snop  }
0x7: {  	_ = 	snop  }
__scs_overlays_trampoline_lowered:
0x8: {  	[smem:$0x3FA6] =	sst s0  }
0x9: {  	[smem:$0x3FA7] =	sst s1  }
0xa: {  	[smem:$0x3FA8] =	sst s2  }
0xb: {  	[smem:$0x3FA9] =	sst s3  }
0xc: {  	[smem:$0x3FAA] =	sst s4  }
0xd: {  	[smem:$0x3FAB] =	sst s5  }
0xe: {  	[smem:$0x3FAC] =	sst s6  }
0xf: {  	[smem:$0x3FAD] =	sst s7  }
0x10: {  	[smem:$0x3FAE] =	sst s8  }
0x11: {  	[smem:$0x3FAF] =	sst s9;
	s0 =	simm.s32 @!p0 $0x0  }
0x12: {  	s1 =	sld [smem:$0x3F95];
	s0 =	simm.s32 @p0 $0x1  }
0x13: {  	[smem:$0x3FB0] =	sst s0;
	s0 =	simm.s32 @!p1 $0x0  }
0x14: {  	s2 =	sld [smem:$0x3F94];
	s0 =	simm.s32 @p1 $0x1  }
0x15: {  	[smem:$0x3FB1] =	sst s0;
	s0 =	simm.s32 @!p2 $0x0  }
0x16: {  	s3 =	sld [smem:$0x3FDB];
	s0 =	simm.s32 @p2 $0x1  }
0x17: {  	s4 =	simm.s32 $0x1BF5;
	[smem:$0x3FB3] =	sst s0  }
0x18: {  	s0 =	sld [smem:$0x3F96];
	_ =	swait.ge [sflag:s4], $0x0  }
0x19: {  	s7 =	sld [smem:$0x3F97]  }
0x1a: {  	s8 =	sadd.s32 $0xFFFFE003, lr  }
0x1b: {  	s9 =	sadd.s32 $0xFFFFFEF7, lr;
	s5 =	simm.s32 $0xFFFFFFFF;
	p2 =	slt.u32 s8, $0xFFFFF086  }
0x1c: {  	p1 =	slt.u32 s9, $0xF7A;
	s5 =	simm.s32 @!p2 $0x0  }
0x1d: {  	s5 =	simm.s32 @p1 $0x1;
	p0 =	seq.s32 s7, s2  }
0x1e: {  	s7 =	smul.u32 @!p0 $0xF7A, s2;
	p2 =	seq.s32 @!p0 s5, $0x0  }
0x1f: {  	s9 =	smul.u32 $0xF7A, s1;
	s8 =	simm.s32 @!p0 $0x1BF5;
	p2 =	por !p2, p0  }
0x20: {  	[sflag:s8] =	ssyncset.s32 @!p0 $0xFFFFF086;
	s6 =	sadd.s32 @!p0 s3, s7;
	s7 =	simm.s32 @!p0 $0x108  }
0x21: {  	s3 =	sadd.s32 s3, s9;
	s6 =	sadd.s32 @!p0 $0x88, s6;
	s7 =	simm.s32 @p2 $0x1082  }
0x22: {  	[simem:s7], [sflag:s8] =	dma.local @!p0 [hbm:s6], $0xF7A  }
0x23: {  	s9 =	sor.u32 $0xD0000000, s2;
	s6 =	simm.s32 $0x108;
	_ =	swait.ge @!p0 [sflag:s8], $0x0  }
0x24: {  	s3 =	sadd.s32 $0x88, s3;
	s6 =	simm.s32 @!p1 $0x1082;
	[sflag:s4] =	ssyncset.s32 $0xFFFFF086  }
0x25: {  	[simem:s6], [sflag:s4] =	dma.local [hbm:s3], $0xF7A  }
0x26: {  	[smem:$0x3F97] =	sst s1;
	(tag) =	ssettag s2;
	_ =	strace s9  }
0x27: {  	s1 =	sld [smem:$0x3FA7]  }
0x28: {  	s2 =	sld [smem:$0x3FA8]  }
0x29: {  	s4 =	sld [smem:$0x3FAA]  }
0x2a: {  	p0 =	seq.s32 s5, $0x0;
	s5 =	sld [smem:$0x3FAB]  }
0x2b: {  	s6 =	sld [smem:$0x3FAC]  }
0x2c: {  	s7 =	sld [smem:$0x3FAD]  }
0x2d: {  	s3 =	simm.s32 $0x108;
	s8 =	sld [smem:$0x3FAE]  }
0x2e: {  	s3 =	simm.s32 @!p0 $0x1082;
	s9 =	sld [smem:$0x3FAF]  }
0x2f: {  	lr =	sadd.s32 s0, s3;
	s0 =	sld [smem:$0x3FA6]  }
0x30: {  	s3 =	sld [smem:$0x3FA9]  }
0x31: {  	[smem:$0x3FB2] =	sst s10  }
0x32: {  	s10 =	sld [smem:$0x3FB0];
	_ =	sdelay $0x3  }
0x33: {  	p0 =	seq.s32 s10, $0x1;
	s10 =	sld [smem:$0x3FB2];
	_ =	sdelay $0x3  }
0x34: {  	[smem:$0x3FB2] =	sst s10  }
0x35: {  	s10 =	sld [smem:$0x3FB1];
	_ =	sdelay $0x3  }
0x36: {  	p1 =	seq.s32 s10, $0x1;
	s10 =	sld [smem:$0x3FB2];
	_ =	sdelay $0x3  }
0x37: {  	[smem:$0x3FB2] =	sst s10  }
0x38: {  	s10 =	sld [smem:$0x3FB3]  }
0x39: {  	_ = 	snop;
	(pc) =	sbr.ind lr, $3  }
0x3a: {  	_ = 	snop  }
0x3b: {  	_ = 	snop  }
0x3c: {  	p2 =	seq.s32 s10, $0x1;
	s10 =	sld [smem:$0x3FB2]  }
0x3d: {  	_ =	shalt  }
0x3e: {  	_ =	shalt  }
0x3f: {  	_ =	shalt  }
0x40: {  	_ =	shalt  }
0x41: {  	_ =	shalt  }
0x42: {  	_ =	shalt  }
0x43: {  	_ =	shalt  }
0x44: {  	_ =	shalt  }
0x45: {  	_ =	shalt  }
0x46: {  	_ =	shalt  }
0x47: {  	_ =	shalt  }
0x48: {  	_ =	shalt  }
0x49: {  	_ =	shalt  }
0x4a: {  	_ =	shalt  }
0x4b: {  	_ =	shalt  }
0x4c: {  	_ =	shalt  }
0x4d: {  	_ =	shalt  }
0x4e: {  	_ =	shalt  }
0x4f: {  	_ =	shalt  }
0x50: {  	_ =	shalt  }
0x51: {  	_ =	shalt  }
0x52: {  	_ =	shalt  }
0x53: {  	_ =	shalt  }
0x54: {  	_ =	shalt  }
0x55: {  	_ =	shalt  }
0x56: {  	_ =	shalt  }
0x57: {  	_ =	shalt  }
0x58: {  	_ =	shalt  }
0x59: {  	_ =	shalt  }
0x5a: {  	_ =	shalt  }
0x5b: {  	_ =	shalt  }
0x5c: {  	_ =	shalt  }
0x5d: {  	_ =	shalt  }
0x5e: {  	_ =	shalt  }
0x5f: {  	_ =	shalt  }
0x60: {  	_ =	shalt  }
0x61: {  	_ =	shalt  }
0x62: {  	_ =	shalt  }
0x63: {  	_ =	shalt  }
0x64: {  	_ =	shalt  }
0x65: {  	_ =	shalt  }
0x66: {  	_ =	shalt  }
0x67: {  	_ =	shalt  }
0x68: {  	_ =	shalt  }
0x69: {  	_ =	shalt  }
0x6a: {  	_ =	shalt  }
0x6b: {  	_ =	shalt  }
0x6c: {  	_ =	shalt  }
0x6d: {  	_ =	shalt  }
0x6e: {  	_ =	shalt  }
0x6f: {  	_ =	shalt  }
0x70: {  	_ =	shalt  }
0x71: {  	_ =	shalt  }
0x72: {  	_ =	shalt  }
0x73: {  	_ =	shalt  }
0x74: {  	_ =	shalt  }
0x75: {  	_ =	shalt  }
0x76: {  	_ =	shalt  }
0x77: {  	_ =	shalt  }
0x78: {  	_ =	shalt  }
0x79: {  	_ =	shalt  }
0x7a: {  	_ =	shalt  }
0x7b: {  	_ =	shalt  }
0x7c: {  	_ =	shalt  }
0x7d: {  	_ =	shalt  }
0x7e: {  	_ =	shalt  }
0x7f: {  	_ =	shalt  }
0x80: {  	_ =	shalt  }
0x81: {  	_ =	shalt  }
0x82: {  	_ =	shalt  }
0x83: {  	_ =	shalt  }
0x84: {  	_ =	shalt  }
0x85: {  	_ =	shalt  }
0x86: {  	_ =	shalt  }
0x87: {  	_ =	shalt  }
.Lfunc_end0:
.L_simem_size_0:
called_computation_lowered:
.L_overlay_start_0:
0x88: {  	s2 =	sld [smem:$0x3FD9]  }
0x89: {  	s3 =	sld [smem:$0x3FFE];
	_ =	sdelay $0x1  }
0x8a: {  	s1 =	srdreg.scid  }
0x8b: {  	s0 =	sand.u32 $0x1, s1  }
0x8c: {  	s17 =	sshll.u32 s0, $0xA;
	s2 =	sadd.s32 s3, s2  }
0x8d: {  	s2 =	sadd.s32 s2, s17  }
0x8e: {  	[smem:$0x3FBE] =	sst s2  }
0x8f: {  	_ = 	snop  }
0x90: {  	s2 =	sld [smem:$0x3FD0];
	(tm) =	ssettm $0x1  }
0x91: {  	s18 =	sld [smem:$0x3FFB];
	_ =	sdelay $0x3  }
0x92: {  	_ =	strace s18  }
0x93: {  	s3 =	sld [smem:$0x3FFC];
	_ =	sdelay $0x3  }
0x94: {  	_ =	strace s3  }
0x95: {  	s3 =	sld [smem:$0x3FFD];
	_ =	sdelay $0x3  }
0x96: {  	_ =	strace s3  }
0x97: {  	_ =	strace $0x8FFFFFFF  }
0x98: {  	s19 =	sld [smem:$0x3FDB];
	_ =	sdelay $0x1  }
0x99: {  	s4 =	simm.s32 $_scs_section_size  }
0x9a: {  	s5 =	simm.s32 $_size__tile_overlayer_lowered;
	s6 =	simm.s32 $_tile_overlayer_lowered  }
0x9b: {  	s22 =	simm.s32 $0x1BFF;
	s21 =	sshll.u32 s6, $0x1;
	s3 =	sadd.s32 s4, s19  }
0x9c: {  	s7 =	simm.s32 $0x0;
	s20 =	sshll.u32 s5, $0x1;
	s5 =	sadd.s32 s21, s3  }
0x9d: {  	[timem:s7], [sflag:s22] =	dma.local [hbm:s5], s20  }
0x9e: {  	_ =	swait.ge [sflag:s22], s20  }
0x9f: {  	s4 =	ssub.s32 $0x0, s20;
	[sflag:s22] =	ssyncset.done $0x0  }
0xa0: {  	[sflag:s22] =	ssyncadd.s32 s4;
	_ =	sdelay $0x1  }
0xa1: {  	s23 =	simm.s32 $0x1B8B  }
0xa2: {  	_ =	swait.ge [sflag:s23], $0x1  }
0xa3: {  	[sflag:s23] =	ssyncset.done $0x0  }
0xa4: {  	s25 =	simm.s32 $0x1B8E;
	s24 =	sld [smem:$0x3FFE];
	[sflag:s23] =	ssyncadd.s32 $0xFFFFFFFF  }
0xa5: {  	s26 =	simm.s32 $execute0_lowered;
	[smem:$0x3FD2] =	sst s25  }
0xa6: {  	s5 =	sshll.u32 s26, $0x1;
	_ =	strace $0x80000046;
	[dreg:$0x1] =	wrdreg $0xFFFFFFFF  }
0xa7: {  	s28 =	simm.s32 $_size_execute0_lowered;
	s3 =	sadd.s32 s3, s5;
	[dreg:$0x0] =	wrdreg $0x0  }
0xa8: {  	s5 =	sshll.u32 s28, $0x1;
	[dreg:$0x2] =	wrdreg s3  }
0xa9: {  	[dreg:$0x3] =	wrdreg s5  }
0xaa: {  	[dreg:$0x4] =	wrdreg $0xC0  }
0xab: {  	_ =	task [dreg:s7], $0x5FFFF  }
0xac: {  	[dreg:$0x1] =	wrdreg $0xFFFFFFFF  }
0xad: {  	[dreg:$0x0] =	wrdreg $0x60  }
0xae: {  	[dreg:$0x2] =	wrdreg s24  }
0xaf: {  	[dreg:$0x3] =	wrdreg s2  }
0xb0: {  	[dreg:$0x4] =	wrdreg $0x81000  }
0xb1: {  	[dreg:$0x5] =	wrdreg $0x9  }
0xb2: {  	_ =	task.clear_ibuf [dreg:s7], $0x6FFFF;
	_ =	strace $0x90000046  }
0xb3: {  	s29 =	simm.s32 $0x9;
	_ =	strace $0x80000048  }
0xb4: {  	_ =	swait.ge [sflag:s29], $0x1  }
0xb5: {  	[sflag:s29] =	ssyncadd.s32 $0xFFFFFFFF  }
0xb6: {  	_ =	strace $0x90000048  }
0xb7: {  	_ =	sfence  }
0xb8: {  	s30 =	sld [smem:$0x0];
	_ =	sdelay $0x2  }
0xb9: {  	s31 =	sshll.u32 s1, $0xD;
	s1 =	sshrl.u32 s1, $0x2  }
0xba: {  	s3 =	sand.u32 $0x4000, s31;
	s1 =	sadd.s32 s1, s30  }
0xbb: {  	s0 =	sor.u32 s3, s0;
	s1 =	sshll.u32 s1, $0x11  }
0xbc: {  	s0 =	sor.u32 s1, s0  }
0xbd: {  	s0 =	sadd.s32 $0x8F2B, s0  }
0xbe: {  	[sflag:s0] =	ssyncadd.remote.s32 $0x1  }
0xbf: {  	_ =	sfence.sel $0xFFFF  }
0xc0: {  	[dreg:$0x0] =	wrdreg $0xFFFFFFFF;
	(pc) =	sbr.abs _section_cstart, $3  }
0xc1: {  	[dreg:$0x1] =	wrdreg $0xFFFFFFFF  }
0xc2: {  	_ =	task.clear_ibuf [dreg:s7], $0x2FFFF;
	_ =	strace $0x9FFFFFFF  }
0xc3: {  	(tm) =	ssettm $0x7FFFFFFF  }
tec
execute0_lowered:
.L_overlay_start_1:
0x0: {  	(tag) =	ssettag $0x1  }
0x1: {  	s0 =	rddreg [dreg:$0x0]  }
0x2: {  	s1 =	rddreg [dreg:$0x1]  }
0x3: {  	s2 =	rddreg [dreg:$0x2];
	s4 =	simm.s32 $0x0;
	s13 =	stileid.u32  }
0x4: {  	s3 =	srdreg.scid;
	s20 =	simm.s32 $0x5900;
	s21 =	simm.s32 $0x3  }
0x5: {  	s22 =	simm.s32 $0x80;
	s23 =	simm.s32 $0x100;
	s24 =	simm.s32 $0x1  }
0x6: {  	s28 =	simm.s32 $0x0;
	[smem:$0x7FF] =	sst s4;
	s5 =	sadd.s32 $0x1200, s0  }
0x7: {  	s10 =	smul.u32 $0x280, s13;
	s6 =	sadd.s32 $0x1A200, s0;
	s7 =	sadd.s32 $0x1F200, s0  }
0x8: {  	s3 =	sand.u32 $0x1, s3;
	s11 =	smul.u32 $0x32000, s13;
	s13 =	sshll.u32 s13, $0x1  }
0x9: {  	s0 =	sadd.s32 $0x29000, s0;
	_ =	strace $0x80000047;
	s8 =	ssub.s32 $0x2, s3  }
0xa: {  	s13 =	sor.u32 s3, s13;
	s3 =	smul.u32 $0x2800, s3;
	s12 =	sadd.s32 $0x80, s10  }
0xb: {  	s9 =	sshrl.u32 s8, $0x1;
	s25 =	sshrl.u32 s11, $0x2;
	s29 =	sadd.s32 $0x14000, s11  }
0xc: {  	s15 =	sadd.s32 $0x1E000, s11;
	s11 =	sadd.s32 $0x28000, s11;
	s13 =	smul.u32 $0x2780, s13  }
0xd: {  	s14 =	smul.u32 $0x140, s12;
	s19 =	ssub.s32 s8, s9;
	s8 =	sadd.s32 s25, s2  }
0xe: {  	s10 =	sadd.s32 s10, s3;
	s3 =	sadd.s32 s3, s12;
	s30 =	sshrl.u32 s15, $0x2  }
0xf: {  	s31 =	sshrl.u32 s11, $0x2;
	s25 =	simm.s32 $0x2;
	s16 =	smul.u32 $0xA, s10  }
0x10: {  	s3 =	smul.u32 $0xA, s3;
	s11 =	sadd.s32 s30, s2;
	s12 =	sadd.s32 s31, s2  }
0x11: {  	s19 =	smax.u32 s19, $0x1;
	s26 =	sshrl.u32 s14, $0x2;
	s14 =	sshrl.u32 s29, $0x2  }
0x12: {  	v0 =	vlaneseq.u32;
	s10 =	sadd.s32 s14, s2;
	s14 =	sadd.s32 s0, s16;
	s0 =	sadd.s32 s0, s3  }
0x13: {  	v1 =	vimm.f32 $0.0e+00;
	vm0 =	vmmov $0xff;
	v0 =	vshrl.u32 v0, $0x3;
	s9 =	sadd.s32 s26, s2;
	s26 =	simm.s32 $0x3100;
	[dreg:$0x4] =	wrdreg s0  }
0x14: {  	v2 =	vor.u32 $0x2, v0;
	v3 =	vor.u32 $0x4, v0;
	v4 =	vor.u32 $0x6, v0;
	s16 =	sadd.s32 $0xA00, s14;
	s17 =	sadd.s32 $0xF00, s14;
	s18 =	sadd.s32 $0x1400, s14  }
.LBB2_1:
0x15: {  	s3 =	simm.s32 $0x140;
	s0 =	simm.s32 $0x0  }
.LBB2_2:
0x16: {  	p0 =	sne.s32 s3, $0x9EC0;
	[tilespmem:s0+$0x5940] =	vst v1;
	s29 =	smov.u32 s3;
	s3 =	sadd.s32 $0x140, s3  }
.Ltmp0:
0x17: {  	[tilespmem:s0+$0x5930] =	vst v1;
	(pc) =	sbr.rel @p0 .LBB2_2-.Ltmp0, $4  }
0x18: {  	[tilespmem:s0+$0x5920] =	vst v1  }
0x19: {  	[tilespmem:s0+$0x5900] =	vst v1  }
0x1a: {  	[tilespmem:s0+$0x5910] =	vst v1  }
0x1b: {  	s0 =	sshra.s32 s29, $0x2  }
0x1c: {  	[tilespmem:s0+$0x5940] =	vst v1  }
0x1d: {  	[tilespmem:s0+$0x5930] =	vst v1  }
0x1e: {  	[tilespmem:s0+$0x5920] =	vst v1  }
0x1f: {  	[tilespmem:s0+$0x5900] =	vst v1  }
0x20: {  	[tilespmem:s0+$0x5910] =	vst v1  }
0x21: {  	[spmem:s8] =	stream.linear.scatter [tilespmem:s20], [sflag:$0x3], $0x2800, $0x38;
	[tilespmem:$0x14900] =	vst v63  }
0x22: {  	_ =	swait.ge [sflag:s21], $0x2800  }
0x23: {  	[sflag:s21] =	ssyncset.done $0x0  }
0x24: {  	[sflag:s21] =	ssyncadd.s32 $0xFFFFD800  }
0x25: {  	[spmem:s9] =	stream.linear.scatter [tilespmem:s20], [sflag:$0x3], $0x2800, $0x38;
	[tilespmem:$0x14900] =	vst v63  }
0x26: {  	_ =	swait.ge [sflag:s21], $0x2800  }
0x27: {  	[sflag:s21] =	ssyncset.done $0x0  }
0x28: {  	[sflag:s21] =	ssyncadd.s32 $0xFFFFD800  }
0x29: {  	[spmem:s10] =	stream.linear.scatter [tilespmem:s20], [sflag:$0x3], $0x2800, $0x38;
	[tilespmem:$0x14900] =	vst v63  }
0x2a: {  	_ =	swait.ge [sflag:s21], $0x2800  }
0x2b: {  	[sflag:s21] =	ssyncset.done $0x0  }
0x2c: {  	[sflag:s21] =	ssyncadd.s32 $0xFFFFD800  }
0x2d: {  	[spmem:s11] =	stream.linear.scatter [tilespmem:s20], [sflag:$0x3], $0x2800, $0x38;
	[tilespmem:$0x14900] =	vst v63  }
0x2e: {  	_ =	swait.ge [sflag:s21], $0x2800  }
0x2f: {  	[sflag:s21] =	ssyncset.done $0x0  }
0x30: {  	[sflag:s21] =	ssyncadd.s32 $0xFFFFD800  }
0x31: {  	[spmem:s12] =	stream.linear.scatter [tilespmem:s20], [sflag:$0x3], $0x2800, $0x38;
	[tilespmem:$0x14900] =	vst v63  }
0x32: {  	_ =	swait.ge [sflag:s21], $0x2800  }
0x33: {  	[sflag:s21] =	ssyncset.done $0x0  }
0x34: {  	[sflag:s21] =	ssyncadd.s32 $0xFFFFD800  }
0x35: {  	s29 =	simm.s32 $0x0;
	s30 =	simm.s32 $0x0;
	[bflag:$0x0] =	sbarrier.arrive $0xFFFF  }
.LBB2_4:
0x36: {  	s0 =	sshll.u32 s30, $0x7  }
0x37: {  	s0 =	sadd.s32 s13, s0  }
0x38: {  	s0 =	sshrl.u32 s0, $0x3  }
0x39: {  	s3 =	sadd.s32 s1, s0  }
0x3a: {  	[tilespmem:s29], [sflag:$0x3] =	stream.linear.gather [hbm4b:s3+s29], $0x80, $0x38;
	[tilespmem:$0x14900] =	vst v63  }
0x3b: {  	_ =	swait.ge [sflag:s21], $0x80  }
0x3c: {  	[sflag:s21] =	ssyncset.done $0x0  }
0x3d: {  	s0 =	sadd.s32 s7, s0;
	[sflag:s21] =	ssyncadd.s32 $0xFFFFFF80  }
0x3e: {  	[tilespmem:s22], [sflag:$0x3] =	stream.linear.gather [hbm4b:s0+s29], $0x80, $0x38;
	[tilespmem:$0x14900] =	vst v63  }
0x3f: {  	_ =	swait.ge [sflag:s21], $0x80  }
0x40: {  	[sflag:s21] =	ssyncset.done $0x0  }
0x41: {  	[sflag:s21] =	ssyncadd.s32 $0xFFFFFF80  }
0x42: {  	[tilespmem:s23], [sflag:$0x1] =	stream.indirect.gather [hbm4b:s5+s22], $0x50, s29, s22, $0xb8;
	[tilespmem:$0x14900] =	vst v63  }
0x43: {  	s0 =	simm.s32 $0x2900  }
0x44: {  	[tilespmem:s0], [sflag:$0x2] =	stream.indirect.gather [hbm4b:s6+s22], $0x10, s22, s22, $0xb8;
	[tilespmem:$0x14900] =	vst v63  }
0x45: {  	_ =	swait.ge [sflag:s24], $0x2800  }
0x46: {  	[sflag:s24] =	ssyncset.done $0x0  }
0x47: {  	[sflag:s24] =	ssyncadd.s32 $0xFFFFD800  }
0x48: {  	_ =	swait.ge [sflag:s25], $0x800  }
0x49: {  	[sflag:s25] =	ssyncset.done $0x0  }
0x4a: {  	s31 =	simm.s32 $0x0;
	[sflag:s25] =	ssyncadd.s32 $0xFFFFF800  }
0x4b: {  	s3 =	simm.s32 $0x140;
	v5 =	vld [tilespmem:s31+$0x140]  }
.LBB2_5:
0x4c: {  	p0 =	sne.s32 s3, $0x9EC0;
	v6 =	vld [tilespmem:s0+$0x0];
	_ =	sdelay $0x4  }
0x4d: {  	v5 =	vadd.f32 v6, v5;
	_ =	sdelay $0x1  }
0x4e: {  	v6 =	vmul.f32 $2.000000030e-01, v5  }
0x4f: {  	vm1 =	vge.f32 v5, $0.0e+00  }
0x50: {  	v5 =	vsel vm1, v5, v6  }
0x51: {  	v5 =	vmul.f32 $1.442695020e+00, v5;
	_ =	sdelay $0x1  }
0x52: {  	(erf) = vpow2.f32 v5;
	_ =	sdelay $0x4  }
0x53: {  	v5 =	vld [tilespmem:s31+$0x100]  }
0x54: {  	v6 =	vld [tilespmem:s31+$0x110]  }
0x55: {  	v7 =	vld [tilespmem:s31+$0x120]  }
0x56: {  	v8 =	vld [tilespmem:s31+$0x130]  }
0x57: {  	v9 =	vpop (erf)  }
0x58: {  	v10 =	vperm.xlane v9, v0;
	v11 =	vperm.xlane v9, v2;
	v12 =	vnsel vm0, $0x0, v9  }
0x59: {  	v13 =	vperm.xlane v9, v3;
	v9 =	vperm.xlane v9, v4;
	[tilespmem:s31+$0x3140] =	vst v12  }
0x5a: {  	v5 =	vmul.f32 v10, v5;
	v6 =	vmul.f32 v11, v6  }
.Ltmp1:
0x5b: {  	v7 =	vmul.f32 v13, v7;
	v8 =	vmul.f32 v9, v8;
	(pc) =	sbr.rel @p0 .LBB2_5-.Ltmp1, $4  }
0x5c: {  	[tilespmem:s31+$0x3100] =	vst v5  }
0x5d: {  	[tilespmem:s31+$0x3110] =	vst v6  }
0x5e: {  	s15 =	sshra.s32 s3, $0x2;
	[tilespmem:s31+$0x3120] =	vst v7  }
0x5f: {  	s3 =	sadd.s32 $0x140, s3;
	s0 =	sadd.s32 $0x10, s0;
	v5 =	vld [tilespmem:s15+$0x140];
	[tilespmem:s31+$0x3130] =	vst v8;
	s31 =	smov.u32 s15  }
0x60: {  	v6 =	vld [tilespmem:s0+$0x0];
	_ =	sdelay $0x4  }
0x61: {  	v5 =	vadd.f32 v6, v5;
	_ =	sdelay $0x1  }
0x62: {  	v6 =	vmul.f32 $2.000000030e-01, v5  }
0x63: {  	vm1 =	vge.f32 v5, $0.0e+00  }
0x64: {  	v5 =	vsel vm1, v5, v6  }
0x65: {  	v5 =	vmul.f32 $1.442695020e+00, v5;
	_ =	sdelay $0x1  }
0x66: {  	(erf) = vpow2.f32 v5;
	_ =	sdelay $0x6  }
0x67: {  	v5 =	vld [tilespmem:s31+$0x100]  }
0x68: {  	v6 =	vld [tilespmem:s31+$0x110]  }
0x69: {  	v7 =	vld [tilespmem:s31+$0x120];
	v8 =	vpop (erf)  }
0x6a: {  	v9 =	vld [tilespmem:s31+$0x130];
	v10 =	vperm.xlane v8, v0  }
0x6b: {  	v11 =	vperm.xlane v8, v2  }
0x6c: {  	v12 =	vnsel vm0, $0x0, v8;
	v13 =	vperm.xlane v8, v3;
	v5 =	vmul.f32 v10, v5  }
0x6d: {  	v8 =	vperm.xlane v8, v4;
	[tilespmem:s31+$0x3140] =	vst v12;
	v6 =	vmul.f32 v11, v6  }
0x6e: {  	v7 =	vmul.f32 v13, v7;
	[tilespmem:s31+$0x3100] =	vst v5  }
0x6f: {  	s30 =	sadd.s32 $0x1, s30;
	v5 =	vmul.f32 v8, v9;
	[tilespmem:s31+$0x3110] =	vst v6  }
0x70: {  	p0 =	sne.s32 s30, $0x4F;
	[tilespmem:s31+$0x3120] =	vst v7  }
.Ltmp2:
0x71: {  	[tilespmem:s31+$0x3130] =	vst v5;
	(pc) =	sbr.rel @p0 .LBB2_4-.Ltmp2, $4  }
0x72: {  	[spmem:s2] =	stream.indirect.scatter.add.f32 [tilespmem:s26], [sflag:$0x3], $0x50, s22, s22, $0xb8;
	[tilespmem:$0x14900] =	vst v63  }
0x73: {  	_ =	swait.ge [sflag:s21], $0x2800  }
0x74: {  	[sflag:s21] =	ssyncset.done $0x0  }
0x75: {  	[sflag:s21] =	ssyncadd.s32 $0xFFFFD800  }
0x76: {  	[bflag:$0x0] =	sbarrier.arrive $0xFFFF  }
0x77: {  	[tilespmem:s20], [sflag:$0x3] =	stream.linear.gather [spmem:s8], $0x2800, $0x38;
	[tilespmem:$0x14900] =	vst v63  }
0x78: {  	_ =	swait.ge [sflag:s21], $0x2800  }
0x79: {  	[sflag:s21] =	ssyncset.done $0x0  }
0x7a: {  	[sflag:s21] =	ssyncadd.s32 $0xFFFFD800  }
0x7b: {  	[hbm4b:s14+s4] =	stream.linear.scatter [tilespmem:s20], [sflag:$0x3], $0x2800, $0x38;
	[tilespmem:$0x14900] =	vst v63  }
0x7c: {  	_ =	swait.ge [sflag:s21], $0x2800  }
0x7d: {  	[sflag:s21] =	ssyncset.done $0x0  }
0x7e: {  	[sflag:s21] =	ssyncadd.s32 $0xFFFFD800  }
0x7f: {  	[tilespmem:s20], [sflag:$0x3] =	stream.linear.gather [spmem:s9], $0x2800, $0x38;
	[tilespmem:$0x14900] =	vst v63  }
0x80: {  	_ =	swait.ge [sflag:s21], $0x2800  }
0x81: {  	[sflag:s21] =	ssyncset.done $0x0  }
0x82: {  	s0 =	rddreg [dreg:$0x4];
	[sflag:s21] =	ssyncadd.s32 $0xFFFFD800  }
0x83: {  	[hbm4b:s0+s4] =	stream.linear.scatter [tilespmem:s20], [sflag:$0x3], $0x2800, $0x38;
	[tilespmem:$0x14900] =	vst v63  }
0x84: {  	_ =	swait.ge [sflag:s21], $0x2800  }
0x85: {  	[sflag:s21] =	ssyncset.done $0x0  }
0x86: {  	[sflag:s21] =	ssyncadd.s32 $0xFFFFD800  }
0x87: {  	[tilespmem:s20], [sflag:$0x3] =	stream.linear.gather [spmem:s10], $0x2800, $0x38;
	[tilespmem:$0x14900] =	vst v63  }
0x88: {  	_ =	swait.ge [sflag:s21], $0x2800  }
0x89: {  	[sflag:s21] =	ssyncset.done $0x0  }
0x8a: {  	[sflag:s21] =	ssyncadd.s32 $0xFFFFD800  }
0x8b: {  	[hbm4b:s16+s4] =	stream.linear.scatter [tilespmem:s20], [sflag:$0x3], $0x2800, $0x38;
	[tilespmem:$0x14900] =	vst v63  }
0x8c: {  	_ =	swait.ge [sflag:s21], $0x2800  }
0x8d: {  	[sflag:s21] =	ssyncset.done $0x0  }
0x8e: {  	[sflag:s21] =	ssyncadd.s32 $0xFFFFD800  }
0x8f: {  	[tilespmem:s20], [sflag:$0x3] =	stream.linear.gather [spmem:s11], $0x2800, $0x38;
	[tilespmem:$0x14900] =	vst v63  }
0x90: {  	_ =	swait.ge [sflag:s21], $0x2800  }
0x91: {  	[sflag:s21] =	ssyncset.done $0x0  }
0x92: {  	[sflag:s21] =	ssyncadd.s32 $0xFFFFD800  }
0x93: {  	[hbm4b:s17+s4] =	stream.linear.scatter [tilespmem:s20], [sflag:$0x3], $0x2800, $0x38;
	[tilespmem:$0x14900] =	vst v63  }
0x94: {  	_ =	swait.ge [sflag:s21], $0x2800  }
0x95: {  	[sflag:s21] =	ssyncset.done $0x0  }
0x96: {  	[sflag:s21] =	ssyncadd.s32 $0xFFFFD800  }
0x97: {  	[tilespmem:s20], [sflag:$0x3] =	stream.linear.gather [spmem:s12], $0x2800, $0x38;
	[tilespmem:$0x14900] =	vst v63  }
0x98: {  	s28 =	sadd.s32 $0x1, s28;
	_ =	swait.ge [sflag:s21], $0x2800  }
0x99: {  	p0 =	sne.s32 s28, s19;
	[sflag:s21] =	ssyncset.done $0x0  }
.Ltmp3:
0x9a: {  	[sflag:s21] =	ssyncadd.s32 $0xFFFFD800;
	(pc) =	sbr.rel @p0 .LBB2_1-.Ltmp3, $4  }
0x9b: {  	[hbm4b:s18+s4] =	stream.linear.scatter [tilespmem:s20], [sflag:$0x3], $0x2800, $0x38;
	[tilespmem:$0x14900] =	vst v63  }
0x9c: {  	_ =	swait.ge [sflag:s21], $0x2800  }
0x9d: {  	[sflag:s21] =	ssyncset.done $0x0  }
0x9e: {  	[sflag:s21] =	ssyncadd.s32 $0xFFFFD800  }
0x9f: {  	_ =	sfence.sel $0x180000  }
0xa0: {  	[bflag:$0x0] =	sbarrier.arrive $0xFFFF  }
0xa1: {  	_ =	strace $0x90000047  }
0xa2: {  	s0 =	stileid.u32;
	[bflag:$0x2] =	sbarrier.arrive $0xFFFF  }
0xa3: {  	p0 =	sne.s32 s0, $0x0;
	s0 =	rddreg [dreg:$0x3]  }
0xa4: {  	s0 =	sadd.s32 @!p0 $0x100000, s0  }
0xa5: {  	[sflag:s0] =	ssyncadd.tile.s32 @!p0 $0x1;
	_ =	shalt  }
.Lfunc_end2:
_tile_overlayer_lowered:
.L_overlay_start_2:
0xa6: {  	(tag) =	ssettag $0x2  }
0xa7: {  	s0 =	rddreg [dreg:$0x0];
	s2 =	stileid.u32  }
0xa8: {  	s1 =	rddreg [dreg:$0x1];
	p0 =	sne.s32 s2, $0x0  }
0xa9: {  	s3 =	rddreg [dreg:$0x2];
	[bflag:$0x3] =	sbarrier.arrive $0xFFFF;
	s2 =	simm.s32 @!p0 $0x1C03  }
0xaa: {  	[timem:s3], [sflag:s2] =	dma.local @!p0 [hbm:s0], s1  }
0xab: {  	s0 =	simm.s32 @!p0 $0x3  }
0xac: {  	_ =	swait.ge @!p0 [sflag:s0], s1  }
0xad: {  	s1 =	ssub.s32 @!p0 $0x0, s1;
	[sflag:s0] =	ssyncset.done @!p0 $0x0  }
0xae: {  	[sflag:s0] =	ssyncadd.s32 @!p0 s1  }
0xaf: {  	[bflag:$0x3] =	sbarrier.arrive $0xFFFF  }
0xb0: {  	_ =	shalt  }

</sc_bundles>
